<compile_context>
chip_gen: v7x
topology: tpu7x:2x2x1
jax: 0.10.2.dev20260603
libtpu: 0.0.44.dev20260713+nightly
codegen_flags: <defaults>
</compile_context>

<pallas_src>
import functools
import math

import jax
import jax.numpy as jnp
from jax import lax
from jax.experimental import pallas as pl
from jax.experimental.pallas import tpu as pltpu
from jax.experimental.pallas import tpu_sc as plsc

_QLEN = 2048
_KLEN = 2048
_NUM_BUCKETS = 32
_N_HEADS = 16
_G1LEN = 4112
_BW = 4096
_THRESH = (10, 12, 14, 16, 20, 23, 27)
_NG = _QLEN // 2 // 8


def _sc_body(delta_hbm, table_hbm, out_hbm, tbl_v, dl_v, g1_v, bank_v, sem):
    cid = lax.axis_index("c")
    sid = lax.axis_index("s")
    wid = sid * 2 + cid
    h = wid // 2
    half = lax.rem(wid, 2)

    pltpu.sync_copy(table_hbm, tbl_v)
    pltpu.sync_copy(delta_hbm, dl_v)
    delta_vec = dl_v[...]
    hvec = jnp.full((16,), h, jnp.int32)

    def _build_chunk(ci, carry):
        y = lax.broadcasted_iota(jnp.int32, (16,), 0) + ci * 16
        rp = y - (8 + _QLEN) + delta_vec
        n = -rp
        ret = jnp.where(n < 0, _NUM_BUCKETS // 2, 0)
        na = jnp.abs(n)
        large = jnp.full((16,), 8, jnp.int32)
        for t in _THRESH:
            large = large + jnp.where(na >= t, 1, 0)
        bucket = ret + jnp.where(na < 8, na, large)
        g1_v[pl.ds(ci * 16, 16)] = plsc.load_gather(tbl_v, [bucket, hvec])
        return carry

    lax.fori_loop(0, _G1LEN // 16, _build_chunk, 0)

    def _bank_chunk(ci, carry):
        idx = lax.broadcasted_iota(jnp.int32, (16,), 0) + ci * 16
        for b in range(8):
            bank_v[pl.ds(b * _BW + ci * 16, 16)] = plsc.load_gather(
                g1_v, [idx + (8 - b)])
        return carry

    lax.fori_loop(0, _BW // 16, _bank_chunk, 0)

    base = half * (_QLEN // 2)

    def _copies(g):
        off = _QLEN - base - 8 * g
        row0 = (h * _QLEN + base + 8 * g) * _KLEN
        return [
            pltpu.make_async_copy(
                bank_v.at[pl.ds(b * _BW + off, _KLEN)],
                out_hbm.at[pl.ds(row0 + b * _KLEN, _KLEN)],
                sem,
            )
            for b in range(8)
        ]

    def _dma_group(g, carry):
        for c in _copies(g):
            c.start()

        @pl.when(g >= 2)
        def _retire():
            for c in _copies(g - 2):
                c.wait()

        return carry

    lax.fori_loop(0, _NG, _dma_group, 0)
    for gq in (_NG - 2, _NG - 1):
        for c in _copies(gq):
            c.wait()


@jax.jit
def _run(delta, table):
    mesh = plsc.VectorSubcoreMesh(core_axis_name="c", subcore_axis_name="s")
    fn = functools.partial(
        pl.kernel,
        mesh=mesh,
        compiler_params=pltpu.CompilerParams(needs_layout_passes=False),
        out_type=jax.ShapeDtypeStruct((_N_HEADS * _QLEN * _KLEN,), jnp.float32),
        scratch_types=[
            pltpu.VMEM((_NUM_BUCKETS, _N_HEADS), jnp.float32),
            pltpu.VMEM((16,), jnp.int32),
            pltpu.VMEM((_G1LEN,), jnp.float32),
            pltpu.VMEM((8 * _BW,), jnp.float32),
            pltpu.SemaphoreType.DMA,
        ],
    )(_sc_body)
    return fn(delta, table)


def kernel(qlen, klen, relative_attention_bias):
    qlen = jnp.asarray(qlen, jnp.int32)
    klen = jnp.asarray(klen, jnp.int32)
    delta = jnp.full((16,), (klen - _KLEN) - (qlen - _QLEN), jnp.int32)
    flat = _run(delta, relative_attention_bias)
    return flat.reshape(1, _N_HEADS, _QLEN, _KLEN)

# --- scband reference (transcript-rebuilt; emitter-appended) ---
"""Pipeline reference for scband-relative-position-bias-6622839571048 (READ-ONLY COPY).

The authoritative reference and input builder live on the scoring server;
editing this copy changes nothing except your own understanding.
"""

import jax, jax.numpy as jnp
import numpy as np
import math

NUM_BUCKETS = 32
N_HEADS = 16
BIDIRECTIONAL = True
QLEN = 2048
KLEN = 2048


def _relative_position_bucket(relative_position, bidirectional=True, num_buckets=32, max_distance=32):
    ret = jnp.zeros_like(relative_position)
    n = -relative_position
    if bidirectional:
        num_buckets = num_buckets // 2
        ret = ret + (n < 0).astype(relative_position.dtype) * num_buckets
        n = jnp.abs(n)
    else:
        n = jnp.maximum(n, jnp.zeros_like(n))
    max_exact = num_buckets // 2
    is_small = n < max_exact
    val_if_large = max_exact + (
        jnp.log(n.astype(jnp.float32) / max_exact)
        / math.log(max_distance / max_exact)
        * (num_buckets - max_exact)
    ).astype(relative_position.dtype)
    val_if_large = jnp.minimum(val_if_large, jnp.full_like(val_if_large, num_buckets - 1))
    ret = ret + jnp.where(is_small, n, val_if_large)
    return ret


def setup_inputs(seed: int = 0) -> dict:
    key = jax.random.key(seed)
    table = jax.random.normal(key, (NUM_BUCKETS, N_HEADS), dtype=jnp.float32)
    return {"qlen": 2048, "klen": 2048, "relative_attention_bias": table}


def reference(qlen, klen, relative_attention_bias):
    q_offset = jnp.asarray(qlen, dtype=jnp.int32) - QLEN
    k_offset = jnp.asarray(klen, dtype=jnp.int32) - KLEN
    context_position = (jnp.arange(QLEN, dtype=jnp.int32) + q_offset)[:, None]
    memory_position = (jnp.arange(KLEN, dtype=jnp.int32) + k_offset)[None, :]
    relative_position = memory_position - context_position
    # NOTE: original torch code calls _relative_position_bucket without
    # max_distance, so the default max_distance=32 is used (faithful repro).
    rp_bucket = _relative_position_bucket(
        relative_position,
        bidirectional=BIDIRECTIONAL,
        num_buckets=NUM_BUCKETS,
        max_distance=32,
    )
    values = jnp.take(relative_attention_bias, rp_bucket, axis=0)  # (qlen, klen, n_heads)
    values = jnp.transpose(values, (2, 0, 1))[None, :, :, :]  # (1, n_heads, qlen, klen)
    return values

if __name__ == "__main__":
    import jax
    _d = setup_inputs()
    print(jax.jit(kernel)(*tuple(_d.values())))

</pallas_src>

<mosaic_0001>
#map = affine_map<(d0, d1) -> (0)>
#map1 = affine_map<(d0, d1) -> (0, 0)>
module attributes {stable_mosaic.version = 14 : i64} {
  func.func @_sc_body(%arg0: i32, %arg1: i32, %arg2: memref<16xi32, #tpu.memory_space<hbm>>, %arg3: memref<32x16xf32, #tpu.memory_space<hbm>>, %arg4: memref<67108864xf32, #tpu.memory_space<hbm>>, %arg5: memref<32x16xf32, #tpu.memory_space<vmem>>, %arg6: memref<16xi32, #tpu.memory_space<vmem>>, %arg7: memref<4112xf32, #tpu.memory_space<vmem>>, %arg8: memref<32768xf32, #tpu.memory_space<vmem>>, %arg9: memref<!tpu.dma_semaphore, #tpu.memory_space<semaphore_mem>>) attributes {dimension_semantics = [#tpu.dimension_semantics<core_parallel>, #tpu.dimension_semantics<subcore_parallel>], iteration_bounds = array<i64: 2, 16>, scalar_prefetch = 0 : i64, scratch_operands = 5 : i64, tpu.core_type = #tpu.core_type<sc_vector_subcore>, window_params = [{transform_indices = #map}, {transform_indices = #map1}, {transform_indices = #map}]} {
    %mul3A = arith.constant 2 : i32
    %mul3A_0 = arith.muli %arg1, %mul3A : i32
    %add3A = arith.addi %mul3A_0, %arg0 : i32
    %jit3A = arith.constant 2 : i32
    %div3A = arith.divsi %add3A, %jit3A : i32
    %sign3A = arith.constant 0 : i32
    %sign3A_1 = arith.cmpi sgt, %add3A, %sign3A : i32
    %sign3A_2 = arith.extui %sign3A_1 : i1 to i32
    %sign3A_3 = arith.constant 0 : i32
    %sign3A_4 = arith.cmpi slt, %add3A, %sign3A_3 : i32
    %sign3A_5 = arith.extui %sign3A_4 : i1 to i32
    %sign3A_6 = arith.subi %sign3A_2, %sign3A_5 : i32
    %sign3A_7 = arith.constant 0 : i32
    %sign3A_8 = arith.cmpi sgt, %jit3A, %sign3A_7 : i32
    %sign3A_9 = arith.extui %sign3A_8 : i1 to i32
    %sign3A_10 = arith.constant 0 : i32
    %sign3A_11 = arith.cmpi slt, %jit3A, %sign3A_10 : i32
    %sign3A_12 = arith.extui %sign3A_11 : i1 to i32
    %sign3A_13 = arith.subi %sign3A_9, %sign3A_12 : i32
    %ne3A = arith.cmpi ne, %sign3A_6, %sign3A_13 : i32
    %rem3A = arith.remsi %add3A, %jit3A : i32
    %ne3A_14 = arith.constant 0 : i32
    %ne3A_15 = arith.cmpi ne, %rem3A, %ne3A_14 : i32
    %and3A = arith.andi %ne3A, %ne3A_15 : i1
    %sub3A = arith.constant 1 : i32
    %sub3A_16 = arith.subi %div3A, %sub3A : i32
    %select_n3A = arith.select %and3A, %sub3A_16, %div3A : i32
    %rem3A_17 = arith.constant 2 : i32
    %rem3A_18 = arith.remsi %add3A, %rem3A_17 : i32
    "tpu.region"() ({
      %run_scoped3A = tpu.sem_alloc : memref<!tpu.dma_semaphore, #tpu.memory_space<semaphore_mem>>
      tpu.enqueue_dma source(%arg3 : memref<32x16xf32, #tpu.memory_space<hbm>>) target(%arg5 : memref<32x16xf32, #tpu.memory_space<vmem>>) target_semaphore(%run_scoped3A : memref<!tpu.dma_semaphore, #tpu.memory_space<semaphore_mem>>)
      tpu.wait_dma2 semaphore(%run_scoped3A : memref<!tpu.dma_semaphore, #tpu.memory_space<semaphore_mem>>) src(%arg3 : memref<32x16xf32, #tpu.memory_space<hbm>>) dst(%arg5 : memref<32x16xf32, #tpu.memory_space<vmem>>)
      tpu.yield
    }) : () -> ()
    "tpu.region"() ({
      %run_scoped3A = tpu.sem_alloc : memref<!tpu.dma_semaphore, #tpu.memory_space<semaphore_mem>>
      tpu.enqueue_dma source(%arg2 : memref<16xi32, #tpu.memory_space<hbm>>) target(%arg6 : memref<16xi32, #tpu.memory_space<vmem>>) target_semaphore(%run_scoped3A : memref<!tpu.dma_semaphore, #tpu.memory_space<semaphore_mem>>)
      tpu.wait_dma2 semaphore(%run_scoped3A : memref<!tpu.dma_semaphore, #tpu.memory_space<semaphore_mem>>) src(%arg2 : memref<16xi32, #tpu.memory_space<hbm>>) dst(%arg6 : memref<16xi32, #tpu.memory_space<vmem>>)
      tpu.yield
    }) : () -> ()
    %get3A = arith.constant 0 : index
    %get3A_19 = tpu.vector_load %arg6[%get3A] {strides = array<i32>} : memref<16xi32, #tpu.memory_space<vmem>>, vector<16xi32>,
    %broadcast_in_dim3A = vector.broadcast %select_n3A : i32 to vector<16xi32>
    %scan3A = arith.constant 0 : i32
    %scan3A_20 = arith.constant 0 : i32
    %scan3A_21 = arith.constant 257 : i32
    %scan3A_22 = arith.addi %scan3A_20, %scan3A_21 : i32
    %scan3A_23 = arith.constant 1 : i32
    scf.for %scan3A_188 = %scan3A_20 to %scan3A_22 step %scan3A_23  : i32 {
      %iota3A = tpu.iota {dimensions = array<i32: 0>} : vector<16xi32>
      %mul3A_189 = arith.constant 16 : i32
      %mul3A_190 = arith.muli %scan3A_188, %mul3A_189 : i32
      %add3A_191 = vector.broadcast %mul3A_190 : i32 to vector<16xi32>
      %add3A_192 = arith.addi %iota3A, %add3A_191 : vector<16xi32>
      %sub3A_193 = arith.constant 2056 : i32
      %sub3A_194 = vector.broadcast %sub3A_193 : i32 to vector<16xi32>
      %sub3A_195 = arith.subi %add3A_192, %sub3A_194 : vector<16xi32>
      %add3A_196 = arith.addi %sub3A_195, %get3A_19 : vector<16xi32>
      %neg3A = arith.constant 0 : i32
      %neg3A_197 = vector.broadcast %neg3A : i32 to vector<16xi32>
      %neg3A_198 = arith.subi %neg3A_197, %add3A_196 : vector<16xi32>
      %lt3A = arith.constant 0 : i32
      %lt3A_199 = vector.broadcast %lt3A : i32 to vector<16xi32>
      %lt3A_200 = arith.cmpi slt, %neg3A_198, %lt3A_199 : vector<16xi32>
      %jit3A_201 = arith.constant 16 : i32
      %jit3A_202 = arith.constant 0 : i32
      %broadcast_in_dim3A_203 = vector.broadcast %jit3A_201 : i32 to vector<16xi32>
      %broadcast_in_dim3A_204 = vector.broadcast %jit3A_202 : i32 to vector<16xi32>
      %select_n3A_205 = arith.select %lt3A_200, %broadcast_in_dim3A_203, %broadcast_in_dim3A_204 : vector<16xi1>, vector<16xi32>
      %abs3A = math.absi %neg3A_198 : vector<16xi32>
      %broadcast_in_dim3A_206 = arith.constant 8 : i32
      %broadcast_in_dim3A_207 = vector.broadcast %broadcast_in_dim3A_206 : i32 to vector<16xi32>
      %ge3A = arith.constant 10 : i32
      %ge3A_208 = vector.broadcast %ge3A : i32 to vector<16xi32>
      %ge3A_209 = arith.cmpi sge, %abs3A, %ge3A_208 : vector<16xi32>
      %jit3A_210 = arith.constant 1 : i32
      %jit3A_211 = arith.constant 0 : i32
      %broadcast_in_dim3A_212 = vector.broadcast %jit3A_210 : i32 to vector<16xi32>
      %broadcast_in_dim3A_213 = vector.broadcast %jit3A_211 : i32 to vector<16xi32>
      %select_n3A_214 = arith.select %ge3A_209, %broadcast_in_dim3A_212, %broadcast_in_dim3A_213 : vector<16xi1>, vector<16xi32>
      %add3A_215 = arith.addi %broadcast_in_dim3A_207, %select_n3A_214 : vector<16xi32>
      %ge3A_216 = arith.constant 12 : i32
      %ge3A_217 = vector.broadcast %ge3A_216 : i32 to vector<16xi32>
      %ge3A_218 = arith.cmpi sge, %abs3A, %ge3A_217 : vector<16xi32>
      %jit3A_219 = arith.constant 1 : i32
      %jit3A_220 = arith.constant 0 : i32
      %broadcast_in_dim3A_221 = vector.broadcast %jit3A_219 : i32 to vector<16xi32>
      %broadcast_in_dim3A_222 = vector.broadcast %jit3A_220 : i32 to vector<16xi32>
      %select_n3A_223 = arith.select %ge3A_218, %broadcast_in_dim3A_221, %broadcast_in_dim3A_222 : vector<16xi1>, vector<16xi32>
      %add3A_224 = arith.addi %add3A_215, %select_n3A_223 : vector<16xi32>
      %ge3A_225 = arith.constant 14 : i32
      %ge3A_226 = vector.broadcast %ge3A_225 : i32 to vector<16xi32>
      %ge3A_227 = arith.cmpi sge, %abs3A, %ge3A_226 : vector<16xi32>
      %jit3A_228 = arith.constant 1 : i32
      %jit3A_229 = arith.constant 0 : i32
      %broadcast_in_dim3A_230 = vector.broadcast %jit3A_228 : i32 to vector<16xi32>
      %broadcast_in_dim3A_231 = vector.broadcast %jit3A_229 : i32 to vector<16xi32>
      %select_n3A_232 = arith.select %ge3A_227, %broadcast_in_dim3A_230, %broadcast_in_dim3A_231 : vector<16xi1>, vector<16xi32>
      %add3A_233 = arith.addi %add3A_224, %select_n3A_232 : vector<16xi32>
      %ge3A_234 = arith.constant 16 : i32
      %ge3A_235 = vector.broadcast %ge3A_234 : i32 to vector<16xi32>
      %ge3A_236 = arith.cmpi sge, %abs3A, %ge3A_235 : vector<16xi32>
      %jit3A_237 = arith.constant 1 : i32
      %jit3A_238 = arith.constant 0 : i32
      %broadcast_in_dim3A_239 = vector.broadcast %jit3A_237 : i32 to vector<16xi32>
      %broadcast_in_dim3A_240 = vector.broadcast %jit3A_238 : i32 to vector<16xi32>
      %select_n3A_241 = arith.select %ge3A_236, %broadcast_in_dim3A_239, %broadcast_in_dim3A_240 : vector<16xi1>, vector<16xi32>
      %add3A_242 = arith.addi %add3A_233, %select_n3A_241 : vector<16xi32>
      %ge3A_243 = arith.constant 20 : i32
      %ge3A_244 = vector.broadcast %ge3A_243 : i32 to vector<16xi32>
      %ge3A_245 = arith.cmpi sge, %abs3A, %ge3A_244 : vector<16xi32>
      %jit3A_246 = arith.constant 1 : i32
      %jit3A_247 = arith.constant 0 : i32
      %broadcast_in_dim3A_248 = vector.broadcast %jit3A_246 : i32 to vector<16xi32>
      %broadcast_in_dim3A_249 = vector.broadcast %jit3A_247 : i32 to vector<16xi32>
      %select_n3A_250 = arith.select %ge3A_245, %broadcast_in_dim3A_248, %broadcast_in_dim3A_249 : vector<16xi1>, vector<16xi32>
      %add3A_251 = arith.addi %add3A_242, %select_n3A_250 : vector<16xi32>
      %ge3A_252 = arith.constant 23 : i32
      %ge3A_253 = vector.broadcast %ge3A_252 : i32 to vector<16xi32>
      %ge3A_254 = arith.cmpi sge, %abs3A, %ge3A_253 : vector<16xi32>
      %jit3A_255 = arith.constant 1 : i32
      %jit3A_256 = arith.constant 0 : i32
      %broadcast_in_dim3A_257 = vector.broadcast %jit3A_255 : i32 to vector<16xi32>
      %broadcast_in_dim3A_258 = vector.broadcast %jit3A_256 : i32 to vector<16xi32>
      %select_n3A_259 = arith.select %ge3A_254, %broadcast_in_dim3A_257, %broadcast_in_dim3A_258 : vector<16xi1>, vector<16xi32>
      %add3A_260 = arith.addi %add3A_251, %select_n3A_259 : vector<16xi32>
      %ge3A_261 = arith.constant 27 : i32
      %ge3A_262 = vector.broadcast %ge3A_261 : i32 to vector<16xi32>
      %ge3A_263 = arith.cmpi sge, %abs3A, %ge3A_262 : vector<16xi32>
      %jit3A_264 = arith.constant 1 : i32
      %jit3A_265 = arith.constant 0 : i32
      %broadcast_in_dim3A_266 = vector.broadcast %jit3A_264 : i32 to vector<16xi32>
      %broadcast_in_dim3A_267 = vector.broadcast %jit3A_265 : i32 to vector<16xi32>
      %select_n3A_268 = arith.select %ge3A_263, %broadcast_in_dim3A_266, %broadcast_in_dim3A_267 : vector<16xi1>, vector<16xi32>
      %add3A_269 = arith.addi %add3A_260, %select_n3A_268 : vector<16xi32>
      %lt3A_270 = arith.constant 8 : i32
      %lt3A_271 = vector.broadcast %lt3A_270 : i32 to vector<16xi32>
      %lt3A_272 = arith.cmpi slt, %abs3A, %lt3A_271 : vector<16xi32>
      %select_n3A_273 = arith.select %lt3A_272, %abs3A, %add3A_269 : vector<16xi1>, vector<16xi32>
      %add3A_274 = arith.addi %select_n3A_205, %select_n3A_273 : vector<16xi32>
      %gather3A = tpu.vector_load_idx %arg5[%add3A_274, %broadcast_in_dim3A] : memref<32x16xf32, #tpu.memory_space<vmem>>[vector<16xi32>, vector<16xi32>], vector<16xf32>,
      %mul3A_275 = arith.constant 16 : i32
      %mul3A_276 = arith.muli %scan3A_188, %mul3A_275 : i32
      %swap3A = arith.index_cast %mul3A_276 : i32 to index
      %swap3A_277 = tpu.vector_load %arg7[%swap3A] {strides = array<i32>} : memref<4112xf32, #tpu.memory_space<vmem>>, vector<16xf32>,
      tpu.vector_store %arg7[%swap3A], %gather3A {strides = array<i32>} : memref<4112xf32, #tpu.memory_space<vmem>>, vector<16xf32>,
    }
    %scan3A_24 = arith.constant 257 : i32
    %scan3A_25 = arith.constant 0 : i32
    %scan3A_26 = arith.constant 0 : i32
    %scan3A_27 = arith.constant 256 : i32
    %scan3A_28 = arith.addi %scan3A_26, %scan3A_27 : i32
    %scan3A_29 = arith.constant 1 : i32
    scf.for %scan3A_188 = %scan3A_26 to %scan3A_28 step %scan3A_29  : i32 {
      %iota3A = tpu.iota {dimensions = array<i32: 0>} : vector<16xi32>
      %mul3A_189 = arith.constant 16 : i32
      %mul3A_190 = arith.muli %scan3A_188, %mul3A_189 : i32
      %add3A_191 = vector.broadcast %mul3A_190 : i32 to vector<16xi32>
      %add3A_192 = arith.addi %iota3A, %add3A_191 : vector<16xi32>
      %add3A_193 = arith.constant 8 : i32
      %add3A_194 = vector.broadcast %add3A_193 : i32 to vector<16xi32>
      %add3A_195 = arith.addi %add3A_192, %add3A_194 : vector<16xi32>
      %gather3A = tpu.vector_load_idx %arg7[%add3A_195] : memref<4112xf32, #tpu.memory_space<vmem>>[vector<16xi32>], vector<16xf32>,
      %mul3A_196 = arith.constant 16 : i32
      %mul3A_197 = arith.muli %scan3A_188, %mul3A_196 : i32
      %add3A_198 = arith.constant 0 : i32
      %add3A_199 = arith.addi %add3A_198, %mul3A_197 : i32
      %swap3A = arith.index_cast %add3A_199 : i32 to index
      %swap3A_200 = tpu.vector_load %arg8[%swap3A] {strides = array<i32>} : memref<32768xf32, #tpu.memory_space<vmem>>, vector<16xf32>,
      tpu.vector_store %arg8[%swap3A], %gather3A {strides = array<i32>} : memref<32768xf32, #tpu.memory_space<vmem>>, vector<16xf32>,
      %add3A_201 = arith.constant 7 : i32
      %add3A_202 = vector.broadcast %add3A_201 : i32 to vector<16xi32>
      %add3A_203 = arith.addi %add3A_192, %add3A_202 : vector<16xi32>
      %gather3A_204 = tpu.vector_load_idx %arg7[%add3A_203] : memref<4112xf32, #tpu.memory_space<vmem>>[vector<16xi32>], vector<16xf32>,
      %mul3A_205 = arith.constant 16 : i32
      %mul3A_206 = arith.muli %scan3A_188, %mul3A_205 : i32
      %add3A_207 = arith.constant 4096 : i32
      %add3A_208 = arith.addi %add3A_207, %mul3A_206 : i32
      %swap3A_209 = arith.index_cast %add3A_208 : i32 to index
      %swap3A_210 = tpu.vector_load %arg8[%swap3A_209] {strides = array<i32>} : memref<32768xf32, #tpu.memory_space<vmem>>, vector<16xf32>,
      tpu.vector_store %arg8[%swap3A_209], %gather3A_204 {strides = array<i32>} : memref<32768xf32, #tpu.memory_space<vmem>>, vector<16xf32>,
      %add3A_211 = arith.constant 6 : i32
      %add3A_212 = vector.broadcast %add3A_211 : i32 to vector<16xi32>
      %add3A_213 = arith.addi %add3A_192, %add3A_212 : vector<16xi32>
      %gather3A_214 = tpu.vector_load_idx %arg7[%add3A_213] : memref<4112xf32, #tpu.memory_space<vmem>>[vector<16xi32>], vector<16xf32>,
      %mul3A_215 = arith.constant 16 : i32
      %mul3A_216 = arith.muli %scan3A_188, %mul3A_215 : i32
      %add3A_217 = arith.constant 8192 : i32
      %add3A_218 = arith.addi %add3A_217, %mul3A_216 : i32
      %swap3A_219 = arith.index_cast %add3A_218 : i32 to index
      %swap3A_220 = tpu.vector_load %arg8[%swap3A_219] {strides = array<i32>} : memref<32768xf32, #tpu.memory_space<vmem>>, vector<16xf32>,
      tpu.vector_store %arg8[%swap3A_219], %gather3A_214 {strides = array<i32>} : memref<32768xf32, #tpu.memory_space<vmem>>, vector<16xf32>,
      %add3A_221 = arith.constant 5 : i32
      %add3A_222 = vector.broadcast %add3A_221 : i32 to vector<16xi32>
      %add3A_223 = arith.addi %add3A_192, %add3A_222 : vector<16xi32>
      %gather3A_224 = tpu.vector_load_idx %arg7[%add3A_223] : memref<4112xf32, #tpu.memory_space<vmem>>[vector<16xi32>], vector<16xf32>,
      %mul3A_225 = arith.constant 16 : i32
      %mul3A_226 = arith.muli %scan3A_188, %mul3A_225 : i32
      %add3A_227 = arith.constant 12288 : i32
      %add3A_228 = arith.addi %add3A_227, %mul3A_226 : i32
      %swap3A_229 = arith.index_cast %add3A_228 : i32 to index
      %swap3A_230 = tpu.vector_load %arg8[%swap3A_229] {strides = array<i32>} : memref<32768xf32, #tpu.memory_space<vmem>>, vector<16xf32>,
      tpu.vector_store %arg8[%swap3A_229], %gather3A_224 {strides = array<i32>} : memref<32768xf32, #tpu.memory_space<vmem>>, vector<16xf32>,
      %add3A_231 = arith.constant 4 : i32
      %add3A_232 = vector.broadcast %add3A_231 : i32 to vector<16xi32>
      %add3A_233 = arith.addi %add3A_192, %add3A_232 : vector<16xi32>
      %gather3A_234 = tpu.vector_load_idx %arg7[%add3A_233] : memref<4112xf32, #tpu.memory_space<vmem>>[vector<16xi32>], vector<16xf32>,
      %mul3A_235 = arith.constant 16 : i32
      %mul3A_236 = arith.muli %scan3A_188, %mul3A_235 : i32
      %add3A_237 = arith.constant 16384 : i32
      %add3A_238 = arith.addi %add3A_237, %mul3A_236 : i32
      %swap3A_239 = arith.index_cast %add3A_238 : i32 to index
      %swap3A_240 = tpu.vector_load %arg8[%swap3A_239] {strides = array<i32>} : memref<32768xf32, #tpu.memory_space<vmem>>, vector<16xf32>,
      tpu.vector_store %arg8[%swap3A_239], %gather3A_234 {strides = array<i32>} : memref<32768xf32, #tpu.memory_space<vmem>>, vector<16xf32>,
      %add3A_241 = arith.constant 3 : i32
      %add3A_242 = vector.broadcast %add3A_241 : i32 to vector<16xi32>
      %add3A_243 = arith.addi %add3A_192, %add3A_242 : vector<16xi32>
      %gather3A_244 = tpu.vector_load_idx %arg7[%add3A_243] : memref<4112xf32, #tpu.memory_space<vmem>>[vector<16xi32>], vector<16xf32>,
      %mul3A_245 = arith.constant 16 : i32
      %mul3A_246 = arith.muli %scan3A_188, %mul3A_245 : i32
      %add3A_247 = arith.constant 20480 : i32
      %add3A_248 = arith.addi %add3A_247, %mul3A_246 : i32
      %swap3A_249 = arith.index_cast %add3A_248 : i32 to index
      %swap3A_250 = tpu.vector_load %arg8[%swap3A_249] {strides = array<i32>} : memref<32768xf32, #tpu.memory_space<vmem>>, vector<16xf32>,
      tpu.vector_store %arg8[%swap3A_249], %gather3A_244 {strides = array<i32>} : memref<32768xf32, #tpu.memory_space<vmem>>, vector<16xf32>,
      %add3A_251 = arith.constant 2 : i32
      %add3A_252 = vector.broadcast %add3A_251 : i32 to vector<16xi32>
      %add3A_253 = arith.addi %add3A_192, %add3A_252 : vector<16xi32>
      %gather3A_254 = tpu.vector_load_idx %arg7[%add3A_253] : memref<4112xf32, #tpu.memory_space<vmem>>[vector<16xi32>], vector<16xf32>,
      %mul3A_255 = arith.constant 16 : i32
      %mul3A_256 = arith.muli %scan3A_188, %mul3A_255 : i32
      %add3A_257 = arith.constant 24576 : i32
      %add3A_258 = arith.addi %add3A_257, %mul3A_256 : i32
      %swap3A_259 = arith.index_cast %add3A_258 : i32 to index
      %swap3A_260 = tpu.vector_load %arg8[%swap3A_259] {strides = array<i32>} : memref<32768xf32, #tpu.memory_space<vmem>>, vector<16xf32>,
      tpu.vector_store %arg8[%swap3A_259], %gather3A_254 {strides = array<i32>} : memref<32768xf32, #tpu.memory_space<vmem>>, vector<16xf32>,
      %add3A_261 = arith.constant 1 : i32
      %add3A_262 = vector.broadcast %add3A_261 : i32 to vector<16xi32>
      %add3A_263 = arith.addi %add3A_192, %add3A_262 : vector<16xi32>
      %gather3A_264 = tpu.vector_load_idx %arg7[%add3A_263] : memref<4112xf32, #tpu.memory_space<vmem>>[vector<16xi32>], vector<16xf32>,
      %mul3A_265 = arith.constant 16 : i32
      %mul3A_266 = arith.muli %scan3A_188, %mul3A_265 : i32
      %add3A_267 = arith.constant 28672 : i32
      %add3A_268 = arith.addi %add3A_267, %mul3A_266 : i32
      %swap3A_269 = arith.index_cast %add3A_268 : i32 to index
      %swap3A_270 = tpu.vector_load %arg8[%swap3A_269] {strides = array<i32>} : memref<32768xf32, #tpu.memory_space<vmem>>, vector<16xf32>,
      tpu.vector_store %arg8[%swap3A_269], %gather3A_264 {strides = array<i32>} : memref<32768xf32, #tpu.memory_space<vmem>>, vector<16xf32>,
    }
    %scan3A_30 = arith.constant 256 : i32
    %mul3A_31 = arith.constant 1024 : i32
    %mul3A_32 = arith.muli %rem3A_18, %mul3A_31 : i32
    %scan3A_33 = arith.constant 0 : i32
    %scan3A_34 = arith.constant 0 : i32
    %scan3A_35 = arith.constant 128 : i32
    %scan3A_36 = arith.addi %scan3A_34, %scan3A_35 : i32
    %scan3A_37 = arith.constant 1 : i32
    scf.for %scan3A_188 = %scan3A_34 to %scan3A_36 step %scan3A_37  : i32 {
      %sub3A_189 = arith.constant 2048 : i32
      %sub3A_190 = arith.subi %sub3A_189, %mul3A_32 : i32
      %mul3A_191 = arith.constant 8 : i32
      %mul3A_192 = arith.muli %mul3A_191, %scan3A_188 : i32
      %sub3A_193 = arith.subi %sub3A_190, %mul3A_192 : i32
      %mul3A_194 = arith.constant 2048 : i32
      %mul3A_195 = arith.muli %select_n3A, %mul3A_194 : i32
      %add3A_196 = arith.addi %mul3A_195, %mul3A_32 : i32
      %mul3A_197 = arith.constant 8 : i32
      %mul3A_198 = arith.muli %mul3A_197, %scan3A_188 : i32
      %add3A_199 = arith.addi %add3A_196, %mul3A_198 : i32
      %mul3A_200 = arith.constant 2048 : i32
      %mul3A_201 = arith.muli %add3A_199, %mul3A_200 : i32
      %add3A_202 = arith.constant 0 : i32
      %add3A_203 = arith.addi %add3A_202, %sub3A_193 : i32
      %add3A_204 = arith.constant 0 : i32
      %add3A_205 = arith.addi %mul3A_201, %add3A_204 : i32
      %add3A_206 = arith.constant 4096 : i32
      %add3A_207 = arith.addi %add3A_206, %sub3A_193 : i32
      %add3A_208 = arith.constant 2048 : i32
      %add3A_209 = arith.addi %mul3A_201, %add3A_208 : i32
      %add3A_210 = arith.constant 8192 : i32
      %add3A_211 = arith.addi %add3A_210, %sub3A_193 : i32
      %add3A_212 = arith.constant 4096 : i32
      %add3A_213 = arith.addi %mul3A_201, %add3A_212 : i32
      %add3A_214 = arith.constant 12288 : i32
      %add3A_215 = arith.addi %add3A_214, %sub3A_193 : i32
      %add3A_216 = arith.constant 6144 : i32
      %add3A_217 = arith.addi %mul3A_201, %add3A_216 : i32
      %add3A_218 = arith.constant 16384 : i32
      %add3A_219 = arith.addi %add3A_218, %sub3A_193 : i32
      %add3A_220 = arith.constant 8192 : i32
      %add3A_221 = arith.addi %mul3A_201, %add3A_220 : i32
      %add3A_222 = arith.constant 20480 : i32
      %add3A_223 = arith.addi %add3A_222, %sub3A_193 : i32
      %add3A_224 = arith.constant 10240 : i32
      %add3A_225 = arith.addi %mul3A_201, %add3A_224 : i32
      %add3A_226 = arith.constant 24576 : i32
      %add3A_227 = arith.addi %add3A_226, %sub3A_193 : i32
      %add3A_228 = arith.constant 12288 : i32
      %add3A_229 = arith.addi %mul3A_201, %add3A_228 : i32
      %add3A_230 = arith.constant 28672 : i32
      %add3A_231 = arith.addi %add3A_230, %sub3A_193 : i32
      %add3A_232 = arith.constant 14336 : i32
      %add3A_233 = arith.addi %mul3A_201, %add3A_232 : i32
      %dma_start3A = tpu.memref_slice %arg8[%add3A_203] : memref<32768xf32, #tpu.memory_space<vmem>> -> memref<2048xf32, #tpu.memory_space<vmem>>
      %dma_start3A_234 = tpu.memref_slice %arg4[%add3A_205] : memref<67108864xf32, #tpu.memory_space<hbm>> -> memref<2048xf32, #tpu.memory_space<hbm>>
      %dma_start3A_235 = tpu.memref_slice %arg4[%add3A_205] : memref<67108864xf32, #tpu.memory_space<hbm>> -> memref<2048xf32, #tpu.memory_space<hbm>>
      %dma_start3A_236 = tpu.memref_slice %arg8[%add3A_203] : memref<32768xf32, #tpu.memory_space<vmem>> -> memref<2048xf32, #tpu.memory_space<vmem>>
      tpu.enqueue_dma source(%dma_start3A_236 : memref<2048xf32, #tpu.memory_space<vmem>>) target(%dma_start3A_235 : memref<2048xf32, #tpu.memory_space<hbm>>) target_semaphore(%arg9 : memref<!tpu.dma_semaphore, #tpu.memory_space<semaphore_mem>>)
      %dma_start3A_237 = tpu.memref_slice %arg8[%add3A_207] : memref<32768xf32, #tpu.memory_space<vmem>> -> memref<2048xf32, #tpu.memory_space<vmem>>
      %dma_start3A_238 = tpu.memref_slice %arg4[%add3A_209] : memref<67108864xf32, #tpu.memory_space<hbm>> -> memref<2048xf32, #tpu.memory_space<hbm>>
      %dma_start3A_239 = tpu.memref_slice %arg4[%add3A_209] : memref<67108864xf32, #tpu.memory_space<hbm>> -> memref<2048xf32, #tpu.memory_space<hbm>>
      %dma_start3A_240 = tpu.memref_slice %arg8[%add3A_207] : memref<32768xf32, #tpu.memory_space<vmem>> -> memref<2048xf32, #tpu.memory_space<vmem>>
      tpu.enqueue_dma source(%dma_start3A_240 : memref<2048xf32, #tpu.memory_space<vmem>>) target(%dma_start3A_239 : memref<2048xf32, #tpu.memory_space<hbm>>) target_semaphore(%arg9 : memref<!tpu.dma_semaphore, #tpu.memory_space<semaphore_mem>>)
      %dma_start3A_241 = tpu.memref_slice %arg8[%add3A_211] : memref<32768xf32, #tpu.memory_space<vmem>> -> memref<2048xf32, #tpu.memory_space<vmem>>
      %dma_start3A_242 = tpu.memref_slice %arg4[%add3A_213] : memref<67108864xf32, #tpu.memory_space<hbm>> -> memref<2048xf32, #tpu.memory_space<hbm>>
      %dma_start3A_243 = tpu.memref_slice %arg4[%add3A_213] : memref<67108864xf32, #tpu.memory_space<hbm>> -> memref<2048xf32, #tpu.memory_space<hbm>>
      %dma_start3A_244 = tpu.memref_slice %arg8[%add3A_211] : memref<32768xf32, #tpu.memory_space<vmem>> -> memref<2048xf32, #tpu.memory_space<vmem>>
      tpu.enqueue_dma source(%dma_start3A_244 : memref<2048xf32, #tpu.memory_space<vmem>>) target(%dma_start3A_243 : memref<2048xf32, #tpu.memory_space<hbm>>) target_semaphore(%arg9 : memref<!tpu.dma_semaphore, #tpu.memory_space<semaphore_mem>>)
      %dma_start3A_245 = tpu.memref_slice %arg8[%add3A_215] : memref<32768xf32, #tpu.memory_space<vmem>> -> memref<2048xf32, #tpu.memory_space<vmem>>
      %dma_start3A_246 = tpu.memref_slice %arg4[%add3A_217] : memref<67108864xf32, #tpu.memory_space<hbm>> -> memref<2048xf32, #tpu.memory_space<hbm>>
      %dma_start3A_247 = tpu.memref_slice %arg4[%add3A_217] : memref<67108864xf32, #tpu.memory_space<hbm>> -> memref<2048xf32, #tpu.memory_space<hbm>>
      %dma_start3A_248 = tpu.memref_slice %arg8[%add3A_215] : memref<32768xf32, #tpu.memory_space<vmem>> -> memref<2048xf32, #tpu.memory_space<vmem>>
      tpu.enqueue_dma source(%dma_start3A_248 : memref<2048xf32, #tpu.memory_space<vmem>>) target(%dma_start3A_247 : memref<2048xf32, #tpu.memory_space<hbm>>) target_semaphore(%arg9 : memref<!tpu.dma_semaphore, #tpu.memory_space<semaphore_mem>>)
      %dma_start3A_249 = tpu.memref_slice %arg8[%add3A_219] : memref<32768xf32, #tpu.memory_space<vmem>> -> memref<2048xf32, #tpu.memory_space<vmem>>
      %dma_start3A_250 = tpu.memref_slice %arg4[%add3A_221] : memref<67108864xf32, #tpu.memory_space<hbm>> -> memref<2048xf32, #tpu.memory_space<hbm>>
      %dma_start3A_251 = tpu.memref_slice %arg4[%add3A_221] : memref<67108864xf32, #tpu.memory_space<hbm>> -> memref<2048xf32, #tpu.memory_space<hbm>>
      %dma_start3A_252 = tpu.memref_slice %arg8[%add3A_219] : memref<32768xf32, #tpu.memory_space<vmem>> -> memref<2048xf32, #tpu.memory_space<vmem>>
      tpu.enqueue_dma source(%dma_start3A_252 : memref<2048xf32, #tpu.memory_space<vmem>>) target(%dma_start3A_251 : memref<2048xf32, #tpu.memory_space<hbm>>) target_semaphore(%arg9 : memref<!tpu.dma_semaphore, #tpu.memory_space<semaphore_mem>>)
      %dma_start3A_253 = tpu.memref_slice %arg8[%add3A_223] : memref<32768xf32, #tpu.memory_space<vmem>> -> memref<2048xf32, #tpu.memory_space<vmem>>
      %dma_start3A_254 = tpu.memref_slice %arg4[%add3A_225] : memref<67108864xf32, #tpu.memory_space<hbm>> -> memref<2048xf32, #tpu.memory_space<hbm>>
      %dma_start3A_255 = tpu.memref_slice %arg4[%add3A_225] : memref<67108864xf32, #tpu.memory_space<hbm>> -> memref<2048xf32, #tpu.memory_space<hbm>>
      %dma_start3A_256 = tpu.memref_slice %arg8[%add3A_223] : memref<32768xf32, #tpu.memory_space<vmem>> -> memref<2048xf32, #tpu.memory_space<vmem>>
      tpu.enqueue_dma source(%dma_start3A_256 : memref<2048xf32, #tpu.memory_space<vmem>>) target(%dma_start3A_255 : memref<2048xf32, #tpu.memory_space<hbm>>) target_semaphore(%arg9 : memref<!tpu.dma_semaphore, #tpu.memory_space<semaphore_mem>>)
      %dma_start3A_257 = tpu.memref_slice %arg8[%add3A_227] : memref<32768xf32, #tpu.memory_space<vmem>> -> memref<2048xf32, #tpu.memory_space<vmem>>
      %dma_start3A_258 = tpu.memref_slice %arg4[%add3A_229] : memref<67108864xf32, #tpu.memory_space<hbm>> -> memref<2048xf32, #tpu.memory_space<hbm>>
      %dma_start3A_259 = tpu.memref_slice %arg4[%add3A_229] : memref<67108864xf32, #tpu.memory_space<hbm>> -> memref<2048xf32, #tpu.memory_space<hbm>>
      %dma_start3A_260 = tpu.memref_slice %arg8[%add3A_227] : memref<32768xf32, #tpu.memory_space<vmem>> -> memref<2048xf32, #tpu.memory_space<vmem>>
      tpu.enqueue_dma source(%dma_start3A_260 : memref<2048xf32, #tpu.memory_space<vmem>>) target(%dma_start3A_259 : memref<2048xf32, #tpu.memory_space<hbm>>) target_semaphore(%arg9 : memref<!tpu.dma_semaphore, #tpu.memory_space<semaphore_mem>>)
      %dma_start3A_261 = tpu.memref_slice %arg8[%add3A_231] : memref<32768xf32, #tpu.memory_space<vmem>> -> memref<2048xf32, #tpu.memory_space<vmem>>
      %dma_start3A_262 = tpu.memref_slice %arg4[%add3A_233] : memref<67108864xf32, #tpu.memory_space<hbm>> -> memref<2048xf32, #tpu.memory_space<hbm>>
      %dma_start3A_263 = tpu.memref_slice %arg4[%add3A_233] : memref<67108864xf32, #tpu.memory_space<hbm>> -> memref<2048xf32, #tpu.memory_space<hbm>>
      %dma_start3A_264 = tpu.memref_slice %arg8[%add3A_231] : memref<32768xf32, #tpu.memory_space<vmem>> -> memref<2048xf32, #tpu.memory_space<vmem>>
      tpu.enqueue_dma source(%dma_start3A_264 : memref<2048xf32, #tpu.memory_space<vmem>>) target(%dma_start3A_263 : memref<2048xf32, #tpu.memory_space<hbm>>) target_semaphore(%arg9 : memref<!tpu.dma_semaphore, #tpu.memory_space<semaphore_mem>>)
      %ge3A = arith.constant 2 : i32
      %ge3A_265 = arith.cmpi sge, %scan3A_188, %ge3A : i32
      %convert_element_type3A = arith.extui %ge3A_265 : i1 to i32
      %cond3A = arith.constant 0 : i32
      %cond3A_266 = arith.cmpi ne, %convert_element_type3A, %cond3A : i32
      scf.if %cond3A_266 {
        %sub3A_267 = arith.constant 2 : i32
        %sub3A_268 = arith.subi %scan3A_188, %sub3A_267 : i32
        %sub3A_269 = arith.constant 2048 : i32
        %sub3A_270 = arith.subi %sub3A_269, %mul3A_32 : i32
        %mul3A_271 = arith.constant 8 : i32
        %mul3A_272 = arith.muli %mul3A_271, %sub3A_268 : i32
        %sub3A_273 = arith.subi %sub3A_270, %mul3A_272 : i32
        %mul3A_274 = arith.constant 2048 : i32
        %mul3A_275 = arith.muli %select_n3A, %mul3A_274 : i32
        %add3A_276 = arith.addi %mul3A_275, %mul3A_32 : i32
        %mul3A_277 = arith.constant 8 : i32
        %mul3A_278 = arith.muli %mul3A_277, %sub3A_268 : i32
        %add3A_279 = arith.addi %add3A_276, %mul3A_278 : i32
        %mul3A_280 = arith.constant 2048 : i32
        %mul3A_281 = arith.muli %add3A_279, %mul3A_280 : i32
        %add3A_282 = arith.constant 0 : i32
        %add3A_283 = arith.addi %add3A_282, %sub3A_273 : i32
        %add3A_284 = arith.constant 0 : i32
        %add3A_285 = arith.addi %mul3A_281, %add3A_284 : i32
        %add3A_286 = arith.constant 4096 : i32
        %add3A_287 = arith.addi %add3A_286, %sub3A_273 : i32
        %add3A_288 = arith.constant 2048 : i32
        %add3A_289 = arith.addi %mul3A_281, %add3A_288 : i32
        %add3A_290 = arith.constant 8192 : i32
        %add3A_291 = arith.addi %add3A_290, %sub3A_273 : i32
        %add3A_292 = arith.constant 4096 : i32
        %add3A_293 = arith.addi %mul3A_281, %add3A_292 : i32
        %add3A_294 = arith.constant 12288 : i32
        %add3A_295 = arith.addi %add3A_294, %sub3A_273 : i32
        %add3A_296 = arith.constant 6144 : i32
        %add3A_297 = arith.addi %mul3A_281, %add3A_296 : i32
        %add3A_298 = arith.constant 16384 : i32
        %add3A_299 = arith.addi %add3A_298, %sub3A_273 : i32
        %add3A_300 = arith.constant 8192 : i32
        %add3A_301 = arith.addi %mul3A_281, %add3A_300 : i32
        %add3A_302 = arith.constant 20480 : i32
        %add3A_303 = arith.addi %add3A_302, %sub3A_273 : i32
        %add3A_304 = arith.constant 10240 : i32
        %add3A_305 = arith.addi %mul3A_281, %add3A_304 : i32
        %add3A_306 = arith.constant 24576 : i32
        %add3A_307 = arith.addi %add3A_306, %sub3A_273 : i32
        %add3A_308 = arith.constant 12288 : i32
        %add3A_309 = arith.addi %mul3A_281, %add3A_308 : i32
        %add3A_310 = arith.constant 28672 : i32
        %add3A_311 = arith.addi %add3A_310, %sub3A_273 : i32
        %add3A_312 = arith.constant 14336 : i32
        %add3A_313 = arith.addi %mul3A_281, %add3A_312 : i32
        %dma_wait3A_314 = tpu.memref_slice %arg8[%add3A_283] : memref<32768xf32, #tpu.memory_space<vmem>> -> memref<2048xf32, #tpu.memory_space<vmem>>
        %dma_wait3A_315 = tpu.memref_slice %arg4[%add3A_285] : memref<67108864xf32, #tpu.memory_space<hbm>> -> memref<2048xf32, #tpu.memory_space<hbm>>
        %dma_wait3A_316 = tpu.memref_slice %arg4[%add3A_285] : memref<67108864xf32, #tpu.memory_space<hbm>> -> memref<2048xf32, #tpu.memory_space<hbm>>
        %dma_wait3A_317 = tpu.memref_slice %arg8[%add3A_283] : memref<32768xf32, #tpu.memory_space<vmem>> -> memref<2048xf32, #tpu.memory_space<vmem>>
        tpu.wait_dma2 semaphore(%arg9 : memref<!tpu.dma_semaphore, #tpu.memory_space<semaphore_mem>>) src(%dma_wait3A_317 : memref<2048xf32, #tpu.memory_space<vmem>>) dst(%dma_wait3A_316 : memref<2048xf32, #tpu.memory_space<hbm>>)
        %dma_wait3A_318 = tpu.memref_slice %arg8[%add3A_287] : memref<32768xf32, #tpu.memory_space<vmem>> -> memref<2048xf32, #tpu.memory_space<vmem>>
        %dma_wait3A_319 = tpu.memref_slice %arg4[%add3A_289] : memref<67108864xf32, #tpu.memory_space<hbm>> -> memref<2048xf32, #tpu.memory_space<hbm>>
        %dma_wait3A_320 = tpu.memref_slice %arg4[%add3A_289] : memref<67108864xf32, #tpu.memory_space<hbm>> -> memref<2048xf32, #tpu.memory_space<hbm>>
        %dma_wait3A_321 = tpu.memref_slice %arg8[%add3A_287] : memref<32768xf32, #tpu.memory_space<vmem>> -> memref<2048xf32, #tpu.memory_space<vmem>>
        tpu.wait_dma2 semaphore(%arg9 : memref<!tpu.dma_semaphore, #tpu.memory_space<semaphore_mem>>) src(%dma_wait3A_321 : memref<2048xf32, #tpu.memory_space<vmem>>) dst(%dma_wait3A_320 : memref<2048xf32, #tpu.memory_space<hbm>>)
        %dma_wait3A_322 = tpu.memref_slice %arg8[%add3A_291] : memref<32768xf32, #tpu.memory_space<vmem>> -> memref<2048xf32, #tpu.memory_space<vmem>>
        %dma_wait3A_323 = tpu.memref_slice %arg4[%add3A_293] : memref<67108864xf32, #tpu.memory_space<hbm>> -> memref<2048xf32, #tpu.memory_space<hbm>>
        %dma_wait3A_324 = tpu.memref_slice %arg4[%add3A_293] : memref<67108864xf32, #tpu.memory_space<hbm>> -> memref<2048xf32, #tpu.memory_space<hbm>>
        %dma_wait3A_325 = tpu.memref_slice %arg8[%add3A_291] : memref<32768xf32, #tpu.memory_space<vmem>> -> memref<2048xf32, #tpu.memory_space<vmem>>
        tpu.wait_dma2 semaphore(%arg9 : memref<!tpu.dma_semaphore, #tpu.memory_space<semaphore_mem>>) src(%dma_wait3A_325 : memref<2048xf32, #tpu.memory_space<vmem>>) dst(%dma_wait3A_324 : memref<2048xf32, #tpu.memory_space<hbm>>)
        %dma_wait3A_326 = tpu.memref_slice %arg8[%add3A_295] : memref<32768xf32, #tpu.memory_space<vmem>> -> memref<2048xf32, #tpu.memory_space<vmem>>
        %dma_wait3A_327 = tpu.memref_slice %arg4[%add3A_297] : memref<67108864xf32, #tpu.memory_space<hbm>> -> memref<2048xf32, #tpu.memory_space<hbm>>
        %dma_wait3A_328 = tpu.memref_slice %arg4[%add3A_297] : memref<67108864xf32, #tpu.memory_space<hbm>> -> memref<2048xf32, #tpu.memory_space<hbm>>
        %dma_wait3A_329 = tpu.memref_slice %arg8[%add3A_295] : memref<32768xf32, #tpu.memory_space<vmem>> -> memref<2048xf32, #tpu.memory_space<vmem>>
        tpu.wait_dma2 semaphore(%arg9 : memref<!tpu.dma_semaphore, #tpu.memory_space<semaphore_mem>>) src(%dma_wait3A_329 : memref<2048xf32, #tpu.memory_space<vmem>>) dst(%dma_wait3A_328 : memref<2048xf32, #tpu.memory_space<hbm>>)
        %dma_wait3A_330 = tpu.memref_slice %arg8[%add3A_299] : memref<32768xf32, #tpu.memory_space<vmem>> -> memref<2048xf32, #tpu.memory_space<vmem>>
        %dma_wait3A_331 = tpu.memref_slice %arg4[%add3A_301] : memref<67108864xf32, #tpu.memory_space<hbm>> -> memref<2048xf32, #tpu.memory_space<hbm>>
        %dma_wait3A_332 = tpu.memref_slice %arg4[%add3A_301] : memref<67108864xf32, #tpu.memory_space<hbm>> -> memref<2048xf32, #tpu.memory_space<hbm>>
        %dma_wait3A_333 = tpu.memref_slice %arg8[%add3A_299] : memref<32768xf32, #tpu.memory_space<vmem>> -> memref<2048xf32, #tpu.memory_space<vmem>>
        tpu.wait_dma2 semaphore(%arg9 : memref<!tpu.dma_semaphore, #tpu.memory_space<semaphore_mem>>) src(%dma_wait3A_333 : memref<2048xf32, #tpu.memory_space<vmem>>) dst(%dma_wait3A_332 : memref<2048xf32, #tpu.memory_space<hbm>>)
        %dma_wait3A_334 = tpu.memref_slice %arg8[%add3A_303] : memref<32768xf32, #tpu.memory_space<vmem>> -> memref<2048xf32, #tpu.memory_space<vmem>>
        %dma_wait3A_335 = tpu.memref_slice %arg4[%add3A_305] : memref<67108864xf32, #tpu.memory_space<hbm>> -> memref<2048xf32, #tpu.memory_space<hbm>>
        %dma_wait3A_336 = tpu.memref_slice %arg4[%add3A_305] : memref<67108864xf32, #tpu.memory_space<hbm>> -> memref<2048xf32, #tpu.memory_space<hbm>>
        %dma_wait3A_337 = tpu.memref_slice %arg8[%add3A_303] : memref<32768xf32, #tpu.memory_space<vmem>> -> memref<2048xf32, #tpu.memory_space<vmem>>
        tpu.wait_dma2 semaphore(%arg9 : memref<!tpu.dma_semaphore, #tpu.memory_space<semaphore_mem>>) src(%dma_wait3A_337 : memref<2048xf32, #tpu.memory_space<vmem>>) dst(%dma_wait3A_336 : memref<2048xf32, #tpu.memory_space<hbm>>)
        %dma_wait3A_338 = tpu.memref_slice %arg8[%add3A_307] : memref<32768xf32, #tpu.memory_space<vmem>> -> memref<2048xf32, #tpu.memory_space<vmem>>
        %dma_wait3A_339 = tpu.memref_slice %arg4[%add3A_309] : memref<67108864xf32, #tpu.memory_space<hbm>> -> memref<2048xf32, #tpu.memory_space<hbm>>
        %dma_wait3A_340 = tpu.memref_slice %arg4[%add3A_309] : memref<67108864xf32, #tpu.memory_space<hbm>> -> memref<2048xf32, #tpu.memory_space<hbm>>
        %dma_wait3A_341 = tpu.memref_slice %arg8[%add3A_307] : memref<32768xf32, #tpu.memory_space<vmem>> -> memref<2048xf32, #tpu.memory_space<vmem>>
        tpu.wait_dma2 semaphore(%arg9 : memref<!tpu.dma_semaphore, #tpu.memory_space<semaphore_mem>>) src(%dma_wait3A_341 : memref<2048xf32, #tpu.memory_space<vmem>>) dst(%dma_wait3A_340 : memref<2048xf32, #tpu.memory_space<hbm>>)
        %dma_wait3A_342 = tpu.memref_slice %arg8[%add3A_311] : memref<32768xf32, #tpu.memory_space<vmem>> -> memref<2048xf32, #tpu.memory_space<vmem>>
        %dma_wait3A_343 = tpu.memref_slice %arg4[%add3A_313] : memref<67108864xf32, #tpu.memory_space<hbm>> -> memref<2048xf32, #tpu.memory_space<hbm>>
        %dma_wait3A_344 = tpu.memref_slice %arg4[%add3A_313] : memref<67108864xf32, #tpu.memory_space<hbm>> -> memref<2048xf32, #tpu.memory_space<hbm>>
        %dma_wait3A_345 = tpu.memref_slice %arg8[%add3A_311] : memref<32768xf32, #tpu.memory_space<vmem>> -> memref<2048xf32, #tpu.memory_space<vmem>>
        tpu.wait_dma2 semaphore(%arg9 : memref<!tpu.dma_semaphore, #tpu.memory_space<semaphore_mem>>) src(%dma_wait3A_345 : memref<2048xf32, #tpu.memory_space<vmem>>) dst(%dma_wait3A_344 : memref<2048xf32, #tpu.memory_space<hbm>>)
      } else {
      }
    }
    %scan3A_38 = arith.constant 128 : i32
    %sub3A_39 = arith.constant 2048 : i32
    %sub3A_40 = arith.subi %sub3A_39, %mul3A_32 : i32
    %sub3A_41 = arith.constant 1008 : i32
    %sub3A_42 = arith.subi %sub3A_40, %sub3A_41 : i32
    %mul3A_43 = arith.constant 2048 : i32
    %mul3A_44 = arith.muli %select_n3A, %mul3A_43 : i32
    %add3A_45 = arith.addi %mul3A_44, %mul3A_32 : i32
    %add3A_46 = arith.constant 1008 : i32
    %add3A_47 = arith.addi %add3A_45, %add3A_46 : i32
    %mul3A_48 = arith.constant 2048 : i32
    %mul3A_49 = arith.muli %add3A_47, %mul3A_48 : i32
    %add3A_50 = arith.constant 0 : i32
    %add3A_51 = arith.addi %add3A_50, %sub3A_42 : i32
    %add3A_52 = arith.constant 0 : i32
    %add3A_53 = arith.addi %mul3A_49, %add3A_52 : i32
    %add3A_54 = arith.constant 4096 : i32
    %add3A_55 = arith.addi %add3A_54, %sub3A_42 : i32
    %add3A_56 = arith.constant 2048 : i32
    %add3A_57 = arith.addi %mul3A_49, %add3A_56 : i32
    %add3A_58 = arith.constant 8192 : i32
    %add3A_59 = arith.addi %add3A_58, %sub3A_42 : i32
    %add3A_60 = arith.constant 4096 : i32
    %add3A_61 = arith.addi %mul3A_49, %add3A_60 : i32
    %add3A_62 = arith.constant 12288 : i32
    %add3A_63 = arith.addi %add3A_62, %sub3A_42 : i32
    %add3A_64 = arith.constant 6144 : i32
    %add3A_65 = arith.addi %mul3A_49, %add3A_64 : i32
    %add3A_66 = arith.constant 16384 : i32
    %add3A_67 = arith.addi %add3A_66, %sub3A_42 : i32
    %add3A_68 = arith.constant 8192 : i32
    %add3A_69 = arith.addi %mul3A_49, %add3A_68 : i32
    %add3A_70 = arith.constant 20480 : i32
    %add3A_71 = arith.addi %add3A_70, %sub3A_42 : i32
    %add3A_72 = arith.constant 10240 : i32
    %add3A_73 = arith.addi %mul3A_49, %add3A_72 : i32
    %add3A_74 = arith.constant 24576 : i32
    %add3A_75 = arith.addi %add3A_74, %sub3A_42 : i32
    %add3A_76 = arith.constant 12288 : i32
    %add3A_77 = arith.addi %mul3A_49, %add3A_76 : i32
    %add3A_78 = arith.constant 28672 : i32
    %add3A_79 = arith.addi %add3A_78, %sub3A_42 : i32
    %add3A_80 = arith.constant 14336 : i32
    %add3A_81 = arith.addi %mul3A_49, %add3A_80 : i32
    %dma_wait3A = tpu.memref_slice %arg8[%add3A_51] : memref<32768xf32, #tpu.memory_space<vmem>> -> memref<2048xf32, #tpu.memory_space<vmem>>
    %dma_wait3A_82 = tpu.memref_slice %arg4[%add3A_53] : memref<67108864xf32, #tpu.memory_space<hbm>> -> memref<2048xf32, #tpu.memory_space<hbm>>
    %dma_wait3A_83 = tpu.memref_slice %arg4[%add3A_53] : memref<67108864xf32, #tpu.memory_space<hbm>> -> memref<2048xf32, #tpu.memory_space<hbm>>
    %dma_wait3A_84 = tpu.memref_slice %arg8[%add3A_51] : memref<32768xf32, #tpu.memory_space<vmem>> -> memref<2048xf32, #tpu.memory_space<vmem>>
    tpu.wait_dma2 semaphore(%arg9 : memref<!tpu.dma_semaphore, #tpu.memory_space<semaphore_mem>>) src(%dma_wait3A_84 : memref<2048xf32, #tpu.memory_space<vmem>>) dst(%dma_wait3A_83 : memref<2048xf32, #tpu.memory_space<hbm>>)
    %dma_wait3A_85 = tpu.memref_slice %arg8[%add3A_55] : memref<32768xf32, #tpu.memory_space<vmem>> -> memref<2048xf32, #tpu.memory_space<vmem>>
    %dma_wait3A_86 = tpu.memref_slice %arg4[%add3A_57] : memref<67108864xf32, #tpu.memory_space<hbm>> -> memref<2048xf32, #tpu.memory_space<hbm>>
    %dma_wait3A_87 = tpu.memref_slice %arg4[%add3A_57] : memref<67108864xf32, #tpu.memory_space<hbm>> -> memref<2048xf32, #tpu.memory_space<hbm>>
    %dma_wait3A_88 = tpu.memref_slice %arg8[%add3A_55] : memref<32768xf32, #tpu.memory_space<vmem>> -> memref<2048xf32, #tpu.memory_space<vmem>>
    tpu.wait_dma2 semaphore(%arg9 : memref<!tpu.dma_semaphore, #tpu.memory_space<semaphore_mem>>) src(%dma_wait3A_88 : memref<2048xf32, #tpu.memory_space<vmem>>) dst(%dma_wait3A_87 : memref<2048xf32, #tpu.memory_space<hbm>>)
    %dma_wait3A_89 = tpu.memref_slice %arg8[%add3A_59] : memref<32768xf32, #tpu.memory_space<vmem>> -> memref<2048xf32, #tpu.memory_space<vmem>>
    %dma_wait3A_90 = tpu.memref_slice %arg4[%add3A_61] : memref<67108864xf32, #tpu.memory_space<hbm>> -> memref<2048xf32, #tpu.memory_space<hbm>>
    %dma_wait3A_91 = tpu.memref_slice %arg4[%add3A_61] : memref<67108864xf32, #tpu.memory_space<hbm>> -> memref<2048xf32, #tpu.memory_space<hbm>>
    %dma_wait3A_92 = tpu.memref_slice %arg8[%add3A_59] : memref<32768xf32, #tpu.memory_space<vmem>> -> memref<2048xf32, #tpu.memory_space<vmem>>
    tpu.wait_dma2 semaphore(%arg9 : memref<!tpu.dma_semaphore, #tpu.memory_space<semaphore_mem>>) src(%dma_wait3A_92 : memref<2048xf32, #tpu.memory_space<vmem>>) dst(%dma_wait3A_91 : memref<2048xf32, #tpu.memory_space<hbm>>)
    %dma_wait3A_93 = tpu.memref_slice %arg8[%add3A_63] : memref<32768xf32, #tpu.memory_space<vmem>> -> memref<2048xf32, #tpu.memory_space<vmem>>
    %dma_wait3A_94 = tpu.memref_slice %arg4[%add3A_65] : memref<67108864xf32, #tpu.memory_space<hbm>> -> memref<2048xf32, #tpu.memory_space<hbm>>
    %dma_wait3A_95 = tpu.memref_slice %arg4[%add3A_65] : memref<67108864xf32, #tpu.memory_space<hbm>> -> memref<2048xf32, #tpu.memory_space<hbm>>
    %dma_wait3A_96 = tpu.memref_slice %arg8[%add3A_63] : memref<32768xf32, #tpu.memory_space<vmem>> -> memref<2048xf32, #tpu.memory_space<vmem>>
    tpu.wait_dma2 semaphore(%arg9 : memref<!tpu.dma_semaphore, #tpu.memory_space<semaphore_mem>>) src(%dma_wait3A_96 : memref<2048xf32, #tpu.memory_space<vmem>>) dst(%dma_wait3A_95 : memref<2048xf32, #tpu.memory_space<hbm>>)
    %dma_wait3A_97 = tpu.memref_slice %arg8[%add3A_67] : memref<32768xf32, #tpu.memory_space<vmem>> -> memref<2048xf32, #tpu.memory_space<vmem>>
    %dma_wait3A_98 = tpu.memref_slice %arg4[%add3A_69] : memref<67108864xf32, #tpu.memory_space<hbm>> -> memref<2048xf32, #tpu.memory_space<hbm>>
    %dma_wait3A_99 = tpu.memref_slice %arg4[%add3A_69] : memref<67108864xf32, #tpu.memory_space<hbm>> -> memref<2048xf32, #tpu.memory_space<hbm>>
    %dma_wait3A_100 = tpu.memref_slice %arg8[%add3A_67] : memref<32768xf32, #tpu.memory_space<vmem>> -> memref<2048xf32, #tpu.memory_space<vmem>>
    tpu.wait_dma2 semaphore(%arg9 : memref<!tpu.dma_semaphore, #tpu.memory_space<semaphore_mem>>) src(%dma_wait3A_100 : memref<2048xf32, #tpu.memory_space<vmem>>) dst(%dma_wait3A_99 : memref<2048xf32, #tpu.memory_space<hbm>>)
    %dma_wait3A_101 = tpu.memref_slice %arg8[%add3A_71] : memref<32768xf32, #tpu.memory_space<vmem>> -> memref<2048xf32, #tpu.memory_space<vmem>>
    %dma_wait3A_102 = tpu.memref_slice %arg4[%add3A_73] : memref<67108864xf32, #tpu.memory_space<hbm>> -> memref<2048xf32, #tpu.memory_space<hbm>>
    %dma_wait3A_103 = tpu.memref_slice %arg4[%add3A_73] : memref<67108864xf32, #tpu.memory_space<hbm>> -> memref<2048xf32, #tpu.memory_space<hbm>>
    %dma_wait3A_104 = tpu.memref_slice %arg8[%add3A_71] : memref<32768xf32, #tpu.memory_space<vmem>> -> memref<2048xf32, #tpu.memory_space<vmem>>
    tpu.wait_dma2 semaphore(%arg9 : memref<!tpu.dma_semaphore, #tpu.memory_space<semaphore_mem>>) src(%dma_wait3A_104 : memref<2048xf32, #tpu.memory_space<vmem>>) dst(%dma_wait3A_103 : memref<2048xf32, #tpu.memory_space<hbm>>)
    %dma_wait3A_105 = tpu.memref_slice %arg8[%add3A_75] : memref<32768xf32, #tpu.memory_space<vmem>> -> memref<2048xf32, #tpu.memory_space<vmem>>
    %dma_wait3A_106 = tpu.memref_slice %arg4[%add3A_77] : memref<67108864xf32, #tpu.memory_space<hbm>> -> memref<2048xf32, #tpu.memory_space<hbm>>
    %dma_wait3A_107 = tpu.memref_slice %arg4[%add3A_77] : memref<67108864xf32, #tpu.memory_space<hbm>> -> memref<2048xf32, #tpu.memory_space<hbm>>
    %dma_wait3A_108 = tpu.memref_slice %arg8[%add3A_75] : memref<32768xf32, #tpu.memory_space<vmem>> -> memref<2048xf32, #tpu.memory_space<vmem>>
    tpu.wait_dma2 semaphore(%arg9 : memref<!tpu.dma_semaphore, #tpu.memory_space<semaphore_mem>>) src(%dma_wait3A_108 : memref<2048xf32, #tpu.memory_space<vmem>>) dst(%dma_wait3A_107 : memref<2048xf32, #tpu.memory_space<hbm>>)
    %dma_wait3A_109 = tpu.memref_slice %arg8[%add3A_79] : memref<32768xf32, #tpu.memory_space<vmem>> -> memref<2048xf32, #tpu.memory_space<vmem>>
    %dma_wait3A_110 = tpu.memref_slice %arg4[%add3A_81] : memref<67108864xf32, #tpu.memory_space<hbm>> -> memref<2048xf32, #tpu.memory_space<hbm>>
    %dma_wait3A_111 = tpu.memref_slice %arg4[%add3A_81] : memref<67108864xf32, #tpu.memory_space<hbm>> -> memref<2048xf32, #tpu.memory_space<hbm>>
    %dma_wait3A_112 = tpu.memref_slice %arg8[%add3A_79] : memref<32768xf32, #tpu.memory_space<vmem>> -> memref<2048xf32, #tpu.memory_space<vmem>>
    tpu.wait_dma2 semaphore(%arg9 : memref<!tpu.dma_semaphore, #tpu.memory_space<semaphore_mem>>) src(%dma_wait3A_112 : memref<2048xf32, #tpu.memory_space<vmem>>) dst(%dma_wait3A_111 : memref<2048xf32, #tpu.memory_space<hbm>>)
    %sub3A_113 = arith.constant 2048 : i32
    %sub3A_114 = arith.subi %sub3A_113, %mul3A_32 : i32
    %sub3A_115 = arith.constant 1016 : i32
    %sub3A_116 = arith.subi %sub3A_114, %sub3A_115 : i32
    %mul3A_117 = arith.constant 2048 : i32
    %mul3A_118 = arith.muli %select_n3A, %mul3A_117 : i32
    %add3A_119 = arith.addi %mul3A_118, %mul3A_32 : i32
    %add3A_120 = arith.constant 1016 : i32
    %add3A_121 = arith.addi %add3A_119, %add3A_120 : i32
    %mul3A_122 = arith.constant 2048 : i32
    %mul3A_123 = arith.muli %add3A_121, %mul3A_122 : i32
    %add3A_124 = arith.constant 0 : i32
    %add3A_125 = arith.addi %add3A_124, %sub3A_116 : i32
    %add3A_126 = arith.constant 0 : i32
    %add3A_127 = arith.addi %mul3A_123, %add3A_126 : i32
    %add3A_128 = arith.constant 4096 : i32
    %add3A_129 = arith.addi %add3A_128, %sub3A_116 : i32
    %add3A_130 = arith.constant 2048 : i32
    %add3A_131 = arith.addi %mul3A_123, %add3A_130 : i32
    %add3A_132 = arith.constant 8192 : i32
    %add3A_133 = arith.addi %add3A_132, %sub3A_116 : i32
    %add3A_134 = arith.constant 4096 : i32
    %add3A_135 = arith.addi %mul3A_123, %add3A_134 : i32
    %add3A_136 = arith.constant 12288 : i32
    %add3A_137 = arith.addi %add3A_136, %sub3A_116 : i32
    %add3A_138 = arith.constant 6144 : i32
    %add3A_139 = arith.addi %mul3A_123, %add3A_138 : i32
    %add3A_140 = arith.constant 16384 : i32
    %add3A_141 = arith.addi %add3A_140, %sub3A_116 : i32
    %add3A_142 = arith.constant 8192 : i32
    %add3A_143 = arith.addi %mul3A_123, %add3A_142 : i32
    %add3A_144 = arith.constant 20480 : i32
    %add3A_145 = arith.addi %add3A_144, %sub3A_116 : i32
    %add3A_146 = arith.constant 10240 : i32
    %add3A_147 = arith.addi %mul3A_123, %add3A_146 : i32
    %add3A_148 = arith.constant 24576 : i32
    %add3A_149 = arith.addi %add3A_148, %sub3A_116 : i32
    %add3A_150 = arith.constant 12288 : i32
    %add3A_151 = arith.addi %mul3A_123, %add3A_150 : i32
    %add3A_152 = arith.constant 28672 : i32
    %add3A_153 = arith.addi %add3A_152, %sub3A_116 : i32
    %add3A_154 = arith.constant 14336 : i32
    %add3A_155 = arith.addi %mul3A_123, %add3A_154 : i32
    %dma_wait3A_156 = tpu.memref_slice %arg8[%add3A_125] : memref<32768xf32, #tpu.memory_space<vmem>> -> memref<2048xf32, #tpu.memory_space<vmem>>
    %dma_wait3A_157 = tpu.memref_slice %arg4[%add3A_127] : memref<67108864xf32, #tpu.memory_space<hbm>> -> memref<2048xf32, #tpu.memory_space<hbm>>
    %dma_wait3A_158 = tpu.memref_slice %arg4[%add3A_127] : memref<67108864xf32, #tpu.memory_space<hbm>> -> memref<2048xf32, #tpu.memory_space<hbm>>
    %dma_wait3A_159 = tpu.memref_slice %arg8[%add3A_125] : memref<32768xf32, #tpu.memory_space<vmem>> -> memref<2048xf32, #tpu.memory_space<vmem>>
    tpu.wait_dma2 semaphore(%arg9 : memref<!tpu.dma_semaphore, #tpu.memory_space<semaphore_mem>>) src(%dma_wait3A_159 : memref<2048xf32, #tpu.memory_space<vmem>>) dst(%dma_wait3A_158 : memref<2048xf32, #tpu.memory_space<hbm>>)
    %dma_wait3A_160 = tpu.memref_slice %arg8[%add3A_129] : memref<32768xf32, #tpu.memory_space<vmem>> -> memref<2048xf32, #tpu.memory_space<vmem>>
    %dma_wait3A_161 = tpu.memref_slice %arg4[%add3A_131] : memref<67108864xf32, #tpu.memory_space<hbm>> -> memref<2048xf32, #tpu.memory_space<hbm>>
    %dma_wait3A_162 = tpu.memref_slice %arg4[%add3A_131] : memref<67108864xf32, #tpu.memory_space<hbm>> -> memref<2048xf32, #tpu.memory_space<hbm>>
    %dma_wait3A_163 = tpu.memref_slice %arg8[%add3A_129] : memref<32768xf32, #tpu.memory_space<vmem>> -> memref<2048xf32, #tpu.memory_space<vmem>>
    tpu.wait_dma2 semaphore(%arg9 : memref<!tpu.dma_semaphore, #tpu.memory_space<semaphore_mem>>) src(%dma_wait3A_163 : memref<2048xf32, #tpu.memory_space<vmem>>) dst(%dma_wait3A_162 : memref<2048xf32, #tpu.memory_space<hbm>>)
    %dma_wait3A_164 = tpu.memref_slice %arg8[%add3A_133] : memref<32768xf32, #tpu.memory_space<vmem>> -> memref<2048xf32, #tpu.memory_space<vmem>>
    %dma_wait3A_165 = tpu.memref_slice %arg4[%add3A_135] : memref<67108864xf32, #tpu.memory_space<hbm>> -> memref<2048xf32, #tpu.memory_space<hbm>>
    %dma_wait3A_166 = tpu.memref_slice %arg4[%add3A_135] : memref<67108864xf32, #tpu.memory_space<hbm>> -> memref<2048xf32, #tpu.memory_space<hbm>>
    %dma_wait3A_167 = tpu.memref_slice %arg8[%add3A_133] : memref<32768xf32, #tpu.memory_space<vmem>> -> memref<2048xf32, #tpu.memory_space<vmem>>
    tpu.wait_dma2 semaphore(%arg9 : memref<!tpu.dma_semaphore, #tpu.memory_space<semaphore_mem>>) src(%dma_wait3A_167 : memref<2048xf32, #tpu.memory_space<vmem>>) dst(%dma_wait3A_166 : memref<2048xf32, #tpu.memory_space<hbm>>)
    %dma_wait3A_168 = tpu.memref_slice %arg8[%add3A_137] : memref<32768xf32, #tpu.memory_space<vmem>> -> memref<2048xf32, #tpu.memory_space<vmem>>
    %dma_wait3A_169 = tpu.memref_slice %arg4[%add3A_139] : memref<67108864xf32, #tpu.memory_space<hbm>> -> memref<2048xf32, #tpu.memory_space<hbm>>
    %dma_wait3A_170 = tpu.memref_slice %arg4[%add3A_139] : memref<67108864xf32, #tpu.memory_space<hbm>> -> memref<2048xf32, #tpu.memory_space<hbm>>
    %dma_wait3A_171 = tpu.memref_slice %arg8[%add3A_137] : memref<32768xf32, #tpu.memory_space<vmem>> -> memref<2048xf32, #tpu.memory_space<vmem>>
    tpu.wait_dma2 semaphore(%arg9 : memref<!tpu.dma_semaphore, #tpu.memory_space<semaphore_mem>>) src(%dma_wait3A_171 : memref<2048xf32, #tpu.memory_space<vmem>>) dst(%dma_wait3A_170 : memref<2048xf32, #tpu.memory_space<hbm>>)
    %dma_wait3A_172 = tpu.memref_slice %arg8[%add3A_141] : memref<32768xf32, #tpu.memory_space<vmem>> -> memref<2048xf32, #tpu.memory_space<vmem>>
    %dma_wait3A_173 = tpu.memref_slice %arg4[%add3A_143] : memref<67108864xf32, #tpu.memory_space<hbm>> -> memref<2048xf32, #tpu.memory_space<hbm>>
    %dma_wait3A_174 = tpu.memref_slice %arg4[%add3A_143] : memref<67108864xf32, #tpu.memory_space<hbm>> -> memref<2048xf32, #tpu.memory_space<hbm>>
    %dma_wait3A_175 = tpu.memref_slice %arg8[%add3A_141] : memref<32768xf32, #tpu.memory_space<vmem>> -> memref<2048xf32, #tpu.memory_space<vmem>>
    tpu.wait_dma2 semaphore(%arg9 : memref<!tpu.dma_semaphore, #tpu.memory_space<semaphore_mem>>) src(%dma_wait3A_175 : memref<2048xf32, #tpu.memory_space<vmem>>) dst(%dma_wait3A_174 : memref<2048xf32, #tpu.memory_space<hbm>>)
    %dma_wait3A_176 = tpu.memref_slice %arg8[%add3A_145] : memref<32768xf32, #tpu.memory_space<vmem>> -> memref<2048xf32, #tpu.memory_space<vmem>>
    %dma_wait3A_177 = tpu.memref_slice %arg4[%add3A_147] : memref<67108864xf32, #tpu.memory_space<hbm>> -> memref<2048xf32, #tpu.memory_space<hbm>>
    %dma_wait3A_178 = tpu.memref_slice %arg4[%add3A_147] : memref<67108864xf32, #tpu.memory_space<hbm>> -> memref<2048xf32, #tpu.memory_space<hbm>>
    %dma_wait3A_179 = tpu.memref_slice %arg8[%add3A_145] : memref<32768xf32, #tpu.memory_space<vmem>> -> memref<2048xf32, #tpu.memory_space<vmem>>
    tpu.wait_dma2 semaphore(%arg9 : memref<!tpu.dma_semaphore, #tpu.memory_space<semaphore_mem>>) src(%dma_wait3A_179 : memref<2048xf32, #tpu.memory_space<vmem>>) dst(%dma_wait3A_178 : memref<2048xf32, #tpu.memory_space<hbm>>)
    %dma_wait3A_180 = tpu.memref_slice %arg8[%add3A_149] : memref<32768xf32, #tpu.memory_space<vmem>> -> memref<2048xf32, #tpu.memory_space<vmem>>
    %dma_wait3A_181 = tpu.memref_slice %arg4[%add3A_151] : memref<67108864xf32, #tpu.memory_space<hbm>> -> memref<2048xf32, #tpu.memory_space<hbm>>
    %dma_wait3A_182 = tpu.memref_slice %arg4[%add3A_151] : memref<67108864xf32, #tpu.memory_space<hbm>> -> memref<2048xf32, #tpu.memory_space<hbm>>
    %dma_wait3A_183 = tpu.memref_slice %arg8[%add3A_149] : memref<32768xf32, #tpu.memory_space<vmem>> -> memref<2048xf32, #tpu.memory_space<vmem>>
    tpu.wait_dma2 semaphore(%arg9 : memref<!tpu.dma_semaphore, #tpu.memory_space<semaphore_mem>>) src(%dma_wait3A_183 : memref<2048xf32, #tpu.memory_space<vmem>>) dst(%dma_wait3A_182 : memref<2048xf32, #tpu.memory_space<hbm>>)
    %dma_wait3A_184 = tpu.memref_slice %arg8[%add3A_153] : memref<32768xf32, #tpu.memory_space<vmem>> -> memref<2048xf32, #tpu.memory_space<vmem>>
    %dma_wait3A_185 = tpu.memref_slice %arg4[%add3A_155] : memref<67108864xf32, #tpu.memory_space<hbm>> -> memref<2048xf32, #tpu.memory_space<hbm>>
    %dma_wait3A_186 = tpu.memref_slice %arg4[%add3A_155] : memref<67108864xf32, #tpu.memory_space<hbm>> -> memref<2048xf32, #tpu.memory_space<hbm>>
    %dma_wait3A_187 = tpu.memref_slice %arg8[%add3A_153] : memref<32768xf32, #tpu.memory_space<vmem>> -> memref<2048xf32, #tpu.memory_space<vmem>>
    tpu.wait_dma2 semaphore(%arg9 : memref<!tpu.dma_semaphore, #tpu.memory_space<semaphore_mem>>) src(%dma_wait3A_187 : memref<2048xf32, #tpu.memory_space<vmem>>) dst(%dma_wait3A_186 : memref<2048xf32, #tpu.memory_space<hbm>>)
    return
  }
}

</mosaic_0001>

<sc_bundles>
// kernel: _run.3.cloned.1.call-start
scs
__scs_entry_jumppad:
0x0: {  	(pc) =	sbr.rel $0x88, $3  }
0x1: {  	(tag) =	ssettag $0x0;
	lr =	simm.s32 $0x1  }
0x2: {  	[smem:$0x3F9F] =	sst lr;
	_ =	strace $0xD0000000  }
0x3: {  	_ = 	snop  }
0x4: {  	_ = 	snop  }
0x5: {  	_ = 	snop  }
0x6: {  	_ = 	snop  }
0x7: {  	_ = 	snop  }
__scs_overlays_trampoline_lowered:
0x8: {  	[smem:$0x3FAE] =	sst s0  }
0x9: {  	[smem:$0x3FAF] =	sst s1  }
0xa: {  	[smem:$0x3FB0] =	sst s2  }
0xb: {  	[smem:$0x3FB1] =	sst s3  }
0xc: {  	[smem:$0x3FB2] =	sst s4  }
0xd: {  	[smem:$0x3FB3] =	sst s5  }
0xe: {  	[smem:$0x3FB4] =	sst s6  }
0xf: {  	[smem:$0x3FB5] =	sst s7  }
0x10: {  	[smem:$0x3FB6] =	sst s8  }
0x11: {  	[smem:$0x3FB7] =	sst s9;
	s0 =	simm.s32 @!p0 $0x0  }
0x12: {  	s1 =	sld [smem:$0x3F9D];
	s0 =	simm.s32 @p0 $0x1  }
0x13: {  	[smem:$0x3FB8] =	sst s0;
	s0 =	simm.s32 @!p1 $0x0  }
0x14: {  	s2 =	sld [smem:$0x3F9C];
	s0 =	simm.s32 @p1 $0x1  }
0x15: {  	[smem:$0x3FB9] =	sst s0;
	s0 =	simm.s32 @!p2 $0x0  }
0x16: {  	s3 =	sld [smem:$0x3FDB];
	s0 =	simm.s32 @p2 $0x1  }
0x17: {  	s4 =	simm.s32 $0x1BF5;
	[smem:$0x3FBB] =	sst s0  }
0x18: {  	s0 =	sld [smem:$0x3F9E];
	_ =	swait.ge [sflag:s4], $0x0  }
0x19: {  	s7 =	sld [smem:$0x3F9F]  }
0x1a: {  	s8 =	sadd.s32 $0xFFFFE003, lr  }
0x1b: {  	s9 =	sadd.s32 $0xFFFFFEF7, lr;
	s5 =	simm.s32 $0xFFFFFFFF;
	p2 =	slt.u32 s8, $0xFFFFF086  }
0x1c: {  	p1 =	slt.u32 s9, $0xF7A;
	s5 =	simm.s32 @!p2 $0x0  }
0x1d: {  	s5 =	simm.s32 @p1 $0x1;
	p0 =	seq.s32 s7, s2  }
0x1e: {  	s7 =	smul.u32 @!p0 $0xF7A, s2;
	p2 =	seq.s32 @!p0 s5, $0x0  }
0x1f: {  	s9 =	smul.u32 $0xF7A, s1;
	s8 =	simm.s32 @!p0 $0x1BF5;
	p2 =	por !p2, p0  }
0x20: {  	[sflag:s8] =	ssyncset.s32 @!p0 $0xFFFFF086;
	s6 =	sadd.s32 @!p0 s3, s7;
	s7 =	simm.s32 @!p0 $0x108  }
0x21: {  	s3 =	sadd.s32 s3, s9;
	s6 =	sadd.s32 @!p0 $0x88, s6;
	s7 =	simm.s32 @p2 $0x1082  }
0x22: {  	[simem:s7], [sflag:s8] =	dma.local @!p0 [hbm:s6], $0xF7A  }
0x23: {  	s9 =	sor.u32 $0xD0000000, s2;
	s6 =	simm.s32 $0x108;
	_ =	swait.ge @!p0 [sflag:s8], $0x0  }
0x24: {  	s3 =	sadd.s32 $0x88, s3;
	s6 =	simm.s32 @!p1 $0x1082;
	[sflag:s4] =	ssyncset.s32 $0xFFFFF086  }
0x25: {  	[simem:s6], [sflag:s4] =	dma.local [hbm:s3], $0xF7A  }
0x26: {  	[smem:$0x3F9F] =	sst s1;
	(tag) =	ssettag s2;
	_ =	strace s9  }
0x27: {  	s1 =	sld [smem:$0x3FAF]  }
0x28: {  	s2 =	sld [smem:$0x3FB0]  }
0x29: {  	s4 =	sld [smem:$0x3FB2]  }
0x2a: {  	p0 =	seq.s32 s5, $0x0;
	s5 =	sld [smem:$0x3FB3]  }
0x2b: {  	s6 =	sld [smem:$0x3FB4]  }
0x2c: {  	s7 =	sld [smem:$0x3FB5]  }
0x2d: {  	s3 =	simm.s32 $0x108;
	s8 =	sld [smem:$0x3FB6]  }
0x2e: {  	s3 =	simm.s32 @!p0 $0x1082;
	s9 =	sld [smem:$0x3FB7]  }
0x2f: {  	lr =	sadd.s32 s0, s3;
	s0 =	sld [smem:$0x3FAE]  }
0x30: {  	s3 =	sld [smem:$0x3FB1]  }
0x31: {  	[smem:$0x3FBA] =	sst s10  }
0x32: {  	s10 =	sld [smem:$0x3FB8];
	_ =	sdelay $0x3  }
0x33: {  	p0 =	seq.s32 s10, $0x1;
	s10 =	sld [smem:$0x3FBA];
	_ =	sdelay $0x3  }
0x34: {  	[smem:$0x3FBA] =	sst s10  }
0x35: {  	s10 =	sld [smem:$0x3FB9];
	_ =	sdelay $0x3  }
0x36: {  	p1 =	seq.s32 s10, $0x1;
	s10 =	sld [smem:$0x3FBA];
	_ =	sdelay $0x3  }
0x37: {  	[smem:$0x3FBA] =	sst s10  }
0x38: {  	s10 =	sld [smem:$0x3FBB]  }
0x39: {  	_ = 	snop;
	(pc) =	sbr.ind lr, $3  }
0x3a: {  	_ = 	snop  }
0x3b: {  	_ = 	snop  }
0x3c: {  	p2 =	seq.s32 s10, $0x1;
	s10 =	sld [smem:$0x3FBA]  }
0x3d: {  	_ =	shalt  }
0x3e: {  	_ =	shalt  }
0x3f: {  	_ =	shalt  }
0x40: {  	_ =	shalt  }
0x41: {  	_ =	shalt  }
0x42: {  	_ =	shalt  }
0x43: {  	_ =	shalt  }
0x44: {  	_ =	shalt  }
0x45: {  	_ =	shalt  }
0x46: {  	_ =	shalt  }
0x47: {  	_ =	shalt  }
0x48: {  	_ =	shalt  }
0x49: {  	_ =	shalt  }
0x4a: {  	_ =	shalt  }
0x4b: {  	_ =	shalt  }
0x4c: {  	_ =	shalt  }
0x4d: {  	_ =	shalt  }
0x4e: {  	_ =	shalt  }
0x4f: {  	_ =	shalt  }
0x50: {  	_ =	shalt  }
0x51: {  	_ =	shalt  }
0x52: {  	_ =	shalt  }
0x53: {  	_ =	shalt  }
0x54: {  	_ =	shalt  }
0x55: {  	_ =	shalt  }
0x56: {  	_ =	shalt  }
0x57: {  	_ =	shalt  }
0x58: {  	_ =	shalt  }
0x59: {  	_ =	shalt  }
0x5a: {  	_ =	shalt  }
0x5b: {  	_ =	shalt  }
0x5c: {  	_ =	shalt  }
0x5d: {  	_ =	shalt  }
0x5e: {  	_ =	shalt  }
0x5f: {  	_ =	shalt  }
0x60: {  	_ =	shalt  }
0x61: {  	_ =	shalt  }
0x62: {  	_ =	shalt  }
0x63: {  	_ =	shalt  }
0x64: {  	_ =	shalt  }
0x65: {  	_ =	shalt  }
0x66: {  	_ =	shalt  }
0x67: {  	_ =	shalt  }
0x68: {  	_ =	shalt  }
0x69: {  	_ =	shalt  }
0x6a: {  	_ =	shalt  }
0x6b: {  	_ =	shalt  }
0x6c: {  	_ =	shalt  }
0x6d: {  	_ =	shalt  }
0x6e: {  	_ =	shalt  }
0x6f: {  	_ =	shalt  }
0x70: {  	_ =	shalt  }
0x71: {  	_ =	shalt  }
0x72: {  	_ =	shalt  }
0x73: {  	_ =	shalt  }
0x74: {  	_ =	shalt  }
0x75: {  	_ =	shalt  }
0x76: {  	_ =	shalt  }
0x77: {  	_ =	shalt  }
0x78: {  	_ =	shalt  }
0x79: {  	_ =	shalt  }
0x7a: {  	_ =	shalt  }
0x7b: {  	_ =	shalt  }
0x7c: {  	_ =	shalt  }
0x7d: {  	_ =	shalt  }
0x7e: {  	_ =	shalt  }
0x7f: {  	_ =	shalt  }
0x80: {  	_ =	shalt  }
0x81: {  	_ =	shalt  }
0x82: {  	_ =	shalt  }
0x83: {  	_ =	shalt  }
0x84: {  	_ =	shalt  }
0x85: {  	_ =	shalt  }
0x86: {  	_ =	shalt  }
0x87: {  	_ =	shalt  }
.Lfunc_end0:
.L_simem_size_0:
called_computation_lowered:
.L_overlay_start_0:
0x88: {  	s2 =	sld [smem:$0x3FD9]  }
0x89: {  	s3 =	sld [smem:$0x3FFE];
	_ =	sdelay $0x1  }
0x8a: {  	s1 =	srdreg.scid  }
0x8b: {  	s0 =	sand.u32 $0x1, s1  }
0x8c: {  	s17 =	sshll.u32 s0, $0xA;
	s2 =	sadd.s32 s3, s2  }
0x8d: {  	s2 =	sadd.s32 s2, s17  }
0x8e: {  	[smem:$0x3FC6] =	sst s2  }
0x8f: {  	_ = 	snop  }
0x90: {  	s2 =	sld [smem:$0x3FC9]  }
0x91: {  	s18 =	sld [smem:$0x3FD0];
	(tm) =	ssettm $0x1  }
0x92: {  	s4 =	sld [smem:$0x3FFB];
	_ =	sdelay $0x3  }
0x93: {  	_ =	strace s4  }
0x94: {  	s4 =	sld [smem:$0x3FFC];
	_ =	sdelay $0x3  }
0x95: {  	_ =	strace s4  }
0x96: {  	s4 =	sld [smem:$0x3FFD];
	_ =	sdelay $0x3  }
0x97: {  	_ =	strace s4  }
0x98: {  	_ =	strace $0x8FFFFFFF  }
0x99: {  	s19 =	sld [smem:$0x3FDB];
	_ =	sdelay $0x1  }
0x9a: {  	s5 =	simm.s32 $_scs_section_size  }
0x9b: {  	s6 =	simm.s32 $_size__tile_overlayer_lowered;
	s7 =	simm.s32 $_tile_overlayer_lowered  }
0x9c: {  	s22 =	simm.s32 $0x1BFF;
	s21 =	sshll.u32 s7, $0x1;
	s4 =	sadd.s32 s5, s19  }
0x9d: {  	s8 =	simm.s32 $0x0;
	s20 =	sshll.u32 s6, $0x1;
	s6 =	sadd.s32 s21, s4  }
0x9e: {  	[timem:s8], [sflag:s22] =	dma.local [hbm:s6], s20  }
0x9f: {  	_ =	swait.ge [sflag:s22], s20  }
0xa0: {  	s5 =	ssub.s32 $0x0, s20;
	[sflag:s22] =	ssyncset.done $0x0  }
0xa1: {  	[sflag:s22] =	ssyncadd.s32 s5;
	_ =	sdelay $0x1  }
0xa2: {  	s23 =	simm.s32 $0x1B8B  }
0xa3: {  	_ =	swait.ge [sflag:s23], $0x1  }
0xa4: {  	[sflag:s23] =	ssyncset.done $0x0  }
0xa5: {  	s25 =	simm.s32 $0x1B8E;
	s24 =	sld [smem:$0x3FFE];
	[sflag:s23] =	ssyncadd.s32 $0xFFFFFFFF  }
0xa6: {  	s26 =	simm.s32 $execute0_lowered;
	[smem:$0x3FD2] =	sst s25  }
0xa7: {  	s6 =	sshll.u32 s26, $0x1;
	_ =	strace $0x80000046;
	[dreg:$0x1] =	wrdreg $0xFFFFFFFF  }
0xa8: {  	s28 =	simm.s32 $_size_execute0_lowered;
	s4 =	sadd.s32 s4, s6;
	[dreg:$0x0] =	wrdreg $0x0  }
0xa9: {  	s6 =	sshll.u32 s28, $0x1;
	[dreg:$0x2] =	wrdreg s4  }
0xaa: {  	[dreg:$0x3] =	wrdreg s6  }
0xab: {  	[dreg:$0x4] =	wrdreg $0xC0  }
0xac: {  	_ =	task [dreg:s8], $0x5FFFF  }
0xad: {  	[dreg:$0x1] =	wrdreg $0xFFFFFFFF  }
0xae: {  	[dreg:$0x0] =	wrdreg $0x60  }
0xaf: {  	[dreg:$0x2] =	wrdreg s2  }
0xb0: {  	[dreg:$0x3] =	wrdreg s24  }
0xb1: {  	[dreg:$0x4] =	wrdreg s18  }
0xb2: {  	[dreg:$0x5] =	wrdreg $0x9  }
0xb3: {  	_ =	task.clear_ibuf [dreg:s8], $0x6FFFF;
	_ =	strace $0x90000046  }
0xb4: {  	s29 =	simm.s32 $0x9;
	_ =	strace $0x80000048  }
0xb5: {  	_ =	swait.ge [sflag:s29], $0x1  }
0xb6: {  	[sflag:s29] =	ssyncadd.s32 $0xFFFFFFFF  }
0xb7: {  	_ =	strace $0x90000048  }
0xb8: {  	_ =	sfence  }
0xb9: {  	s30 =	sld [smem:$0x0];
	_ =	sdelay $0x2  }
0xba: {  	s31 =	sshll.u32 s1, $0xD;
	s1 =	sshrl.u32 s1, $0x2  }
0xbb: {  	s3 =	sand.u32 $0x4000, s31;
	s1 =	sadd.s32 s1, s30  }
0xbc: {  	s0 =	sor.u32 s3, s0;
	s1 =	sshll.u32 s1, $0x11  }
0xbd: {  	s0 =	sor.u32 s1, s0  }
0xbe: {  	s0 =	sadd.s32 $0x8F2B, s0  }
0xbf: {  	[sflag:s0] =	ssyncadd.remote.s32 $0x1  }
0xc0: {  	_ =	sfence.sel $0xFFFF  }
0xc1: {  	[dreg:$0x0] =	wrdreg $0xFFFFFFFF;
	(pc) =	sbr.abs _section_cstart, $3  }
0xc2: {  	[dreg:$0x1] =	wrdreg $0xFFFFFFFF  }
0xc3: {  	_ =	task.clear_ibuf [dreg:s8], $0x2FFFF;
	_ =	strace $0x9FFFFFFF  }
0xc4: {  	(tm) =	ssettm $0x7FFFFFFF  }
0xc5: {  	_ =	shalt  }
tec
execute0_lowered:
.L_overlay_start_1:
0x0: {  	(tag) =	ssettag $0x1  }
0x1: {  	s1 =	rddreg [dreg:$0x0]  }
0x2: {  	s5 =	rddreg [dreg:$0x1]  }
0x3: {  	s3 =	rddreg [dreg:$0x2]  }
0x4: {  	s0 =	rddreg [dreg:$0x3]  }
0x5: {  	s6 =	srdreg.scid;
	s4 =	simm.s32 $0x0;
	s2 =	stileid.u32  }
0x6: {  	s8 =	simm.s32 $0x1;
	s18 =	simm.s32 $0x1080;
	s19 =	simm.s32 $0x0  }
0x7: {  	s15 =	sand.u32 $0x1, s6;
	[smem:$0x7FF] =	sst s4;
	s5 =	sadd.s32 $0x400, s5  }
0x8: {  	s9 =	sadd.s32 $0x300, s3;
	s10 =	sadd.s32 $0x400, s3;
	s11 =	sadd.s32 $0x500, s3  }
0x9: {  	s12 =	sadd.s32 $0x600, s3;
	s6 =	sor.u32 s15, s2;
	_ =	strace $0x80000047  }
0xa: {  	p1 =	seq.s32 s15, $0x1;
	s31 =	ssub.s32 $0x2, s15;
	s13 =	sshll.u32 s15, $0xC  }
0xb: {  	s15 =	sshll.u32 s15, $0x12;
	p0 =	seq.s32 s6, $0x0;
	s7 =	sshrl.u32 s31, $0x1  }
0xc: {  	s6 =	simm.s32 $0x1;
	s17 =	ssub.s32 $0x0, s13;
	p0 =	por !p0, !p1  }
0xd: {  	v11 =	vlaneseq.u32;
	v2 =	vimm.s32 $0x8;
	s13 =	sadd.s32 $0x700, s3;
	s14 =	ssub.s32 s31, s7;
	p0 =	por !p0, !p0  }
0xe: {  	v3 =	vimm.s32 $0x0;
	v1 =	vmul.u32 $0xFFFFFFFF, v11;
	v4 =	vadd.s32 $0x8, v11;
	s7 =	sadd.s32 $0x100, s3;
	s17 =	sshra.s32 s17, $0x2;
	s8 =	simm.s32 @!p0 $0x0  }
0xf: {  	v5 =	vadd.s32 $0x7, v11;
	v6 =	vadd.s32 $0x6, v11;
	v7 =	vadd.s32 $0x5, v11;
	s14 =	smax.u32 s14, $0x1;
	s17 =	sadd.s32 $0x2100, s17;
	s16 =	ssub.s32 s2, s8  }
0x10: {  	v8 =	vadd.s32 $0x4, v11;
	v9 =	vadd.s32 $0x3, v11;
	[dreg:$0x4] =	wrdreg s17;
	s17 =	simm.s32 $0x1000;
	v0 =	vmov s16;
	s16 =	sshll.u32 s16, $0x13  }
0x11: {  	v10 =	vadd.s32 $0x2, v11;
	v11 =	vadd.s32 $0x1, v11;
	v1 =	vadd.s32 $0x808, v1;
	s8 =	sadd.s32 $0x200, s3;
	s15 =	sor.u32 s15, s16;
	s16 =	simm.s32 $0x2  }
.LBB2_1:
0x12: {  	[tilespmem:s4], [sflag:$0x2] =	stream.linear.gather [hbm4b:s5+s4], $0x1000, $0x38;
	[tilespmem:$0xA100] =	vst v63  }
0x13: {  	_ =	swait.ge [sflag:s16], $0x1000  }
0x14: {  	[sflag:s16] =	ssyncset.done $0x0  }
0x15: {  	[sflag:s16] =	ssyncadd.s32 $0xFFFFF000  }
0x16: {  	[tilespmem:s17], [sflag:$0x2] =	stream.linear.gather [hbm4b:s1+s4], $0x80, $0x38;
	[tilespmem:$0xA100] =	vst v63  }
0x17: {  	_ =	swait.ge [sflag:s16], $0x80  }
0x18: {  	[sflag:s16] =	ssyncset.done $0x0  }
0x19: {  	[sflag:s16] =	ssyncadd.s32 $0xFFFFFF80  }
0x1a: {  	v12 =	vld [tilespmem:$0x1000]  }
0x1b: {  	v13 =	vmov s4  }
0x1c: {  	v13 =	vsub.s32 $0x0, v13  }
0x1d: {  	v13 =	vbroadcast v13, $0x0;
	_ =	sdelay $0x1  }
0x1e: {  	v13 =	vsub.s32 v13, v12  }
0x1f: {  	v13 =	vadd.s32 v1, v13  }
0x20: {  	s20 =	simm.s32 $0x10;
	v14 =	vsub.s32 $0x0, v13  }
0x21: {  	v15 =	vmov s20;
	v14 =	vmin.u32 v13, v14  }
0x22: {  	v15 =	vsub.s32 $0x0, v15;
	vm0 =	vgt.s32 v14, $0x9;
	vm1 =	vgt.s32 v14, $0xB  }
0x23: {  	v16 =	vsel vm0, $0x9, v2;
	v17 =	vsel vm1, $0x1, v3;
	vm0 =	vgt.s32 v14, $0xD  }
0x24: {  	v16 =	vadd.s32 v17, v16;
	v17 =	vsel vm0, $0x1, v3;
	vm0 =	vgt.s32 v14, $0xF  }
0x25: {  	v16 =	vadd.s32 v17, v16;
	v17 =	vsel vm0, $0x1, v3;
	vm0 =	vgt.s32 v14, $0x13  }
0x26: {  	v16 =	vadd.s32 v17, v16;
	v17 =	vsel vm0, $0x1, v3;
	vm0 =	vgt.s32 v14, $0x16  }
0x27: {  	v16 =	vadd.s32 v17, v16;
	v17 =	vsel vm0, $0x1, v3;
	vm0 =	vgt.s32 v14, $0x1A  }
0x28: {  	v15 =	vbroadcast v15, $0x0;
	v16 =	vadd.s32 v17, v16;
	v17 =	vsel vm0, $0x1, v3  }
0x29: {  	v13 =	vshrl.u32 v13, $0x1B;
	vm0 =	vlt.s32 v14, $0x8;
	v16 =	vadd.s32 v17, v16  }
0x2a: {  	v15 =	vsub.s32 v15, v12;
	v13 =	vand.u32 $0x10, v13;
	v14 =	vsel vm0, v14, v16  }
0x2b: {  	v15 =	vadd.s32 v1, v15;
	v13 =	vadd.s32 v13, v14  }
0x2c: {  	s30 =	simm.s32 $0x20;
	v14 =	vsub.s32 $0x0, v15;
	v13 =	vshll.u32 v13, $0x7  }
0x2d: {  	v16 =	vmov s30;
	v14 =	vmin.u32 v15, v14;
	v17 =	vadd.s32 v0, v13  }
0x2e: {  	v13 =	vsub.s32 $0x0, v16;
	vm0 =	vgt.s32 v14, $0x9;
	vm1 =	vgt.s32 v14, $0xB  }
0x2f: {  	v16 =	vsel vm0, $0x9, v2;
	v18 =	vsel vm1, $0x1, v3;
	vm0 =	vgt.s32 v14, $0xD  }
0x30: {  	v16 =	vadd.s32 v18, v16;
	v18 =	vsel vm0, $0x1, v3;
	vm0 =	vgt.s32 v14, $0xF  }
0x31: {  	v16 =	vadd.s32 v18, v16;
	v18 =	vsel vm0, $0x1, v3;
	vm0 =	vgt.s32 v14, $0x13  }
0x32: {  	v16 =	vadd.s32 v18, v16;
	v18 =	vsel vm0, $0x1, v3;
	vm0 =	vgt.s32 v14, $0x16  }
0x33: {  	v16 =	vadd.s32 v18, v16;
	v18 =	vsel vm0, $0x1, v3;
	vm0 =	vgt.s32 v14, $0x1A  }
0x34: {  	v13 =	vbroadcast v13, $0x0;
	v16 =	vadd.s32 v18, v16;
	v18 =	vsel vm0, $0x1, v3  }
0x35: {  	v15 =	vshrl.u32 v15, $0x1B;
	vm0 =	vlt.s32 v14, $0x8;
	v16 =	vadd.s32 v18, v16  }
0x36: {  	v15 =	vand.u32 $0x10, v15;
	v13 =	vsub.s32 v13, v12;
	v14 =	vsel vm0, v14, v16  }
0x37: {  	v13 =	vadd.s32 v1, v13;
	v14 =	vadd.s32 v15, v14  }
0x38: {  	s31 =	simm.s32 $0x30;
	v16 =	vsub.s32 $0x0, v13;
	v15 =	vld.idx.msk [tilespmem:v17+s4+$0x0], $0xffff;
	v17 =	vshll.u32 v14, $0x7  }
0x39: {  	v18 =	vmov s31;
	v14 =	vmin.u32 v13, v16;
	v19 =	vadd.s32 v0, v17  }
0x3a: {  	v16 =	vsub.s32 $0x0, v18;
	vm0 =	vgt.s32 v14, $0x9;
	vm1 =	vgt.s32 v14, $0xB  }
0x3b: {  	v17 =	vsel vm0, $0x9, v2;
	v18 =	vsel vm1, $0x1, v3;
	vm0 =	vgt.s32 v14, $0xD  }
0x3c: {  	v17 =	vadd.s32 v18, v17;
	v18 =	vsel vm0, $0x1, v3;
	vm0 =	vgt.s32 v14, $0xF  }
0x3d: {  	[tilespmem:s18+$0x0] =	vst v15;
	v15 =	vadd.s32 v18, v17;
	v17 =	vsel vm0, $0x1, v3;
	vm0 =	vgt.s32 v14, $0x13  }
0x3e: {  	s22 =	simm.s32 $0x40;
	s21 =	simm.s32 $0x1080;
	v17 =	vadd.s32 v17, v15;
	v18 =	vsel vm0, $0x1, v3;
	vm0 =	vgt.s32 v14, $0x16;
	v15 =	vld.idx.msk [tilespmem:v19+s4+$0x0], $0xffff  }
.LBB2_2:
0x3f: {  	p0 =	sne.s32 s22, $0x1000;
	v17 =	vadd.s32 v18, v17;
	v18 =	vsel vm0, $0x1, v3;
	vm0 =	vgt.s32 v14, $0x1A  }
0x40: {  	v16 =	vbroadcast v16, $0x0;
	v17 =	vadd.s32 v18, v17;
	v18 =	vsel vm0, $0x1, v3  }
0x41: {  	v13 =	vshrl.u32 v13, $0x1B;
	vm0 =	vlt.s32 v14, $0x8;
	v17 =	vadd.s32 v18, v17  }
0x42: {  	v16 =	vsub.s32 v16, v12;
	v18 =	vand.u32 $0x10, v13;
	v14 =	vsel vm0, v14, v17  }
0x43: {  	s21 =	sadd.s32 $0x10, s21;
	v13 =	vadd.s32 v1, v16;
	v14 =	vadd.s32 v18, v14  }
0x44: {  	v16 =	vsub.s32 $0x0, v13;
	v17 =	vshll.u32 v14, $0x7;
	[tilespmem:s21+$0x0] =	vst v15  }
0x45: {  	v15 =	vmov s22;
	v14 =	vmin.u32 v13, v16;
	v19 =	vadd.s32 v0, v17  }
.Ltmp0:
0x46: {  	v16 =	vsub.s32 $0x0, v15;
	vm0 =	vgt.s32 v14, $0x9;
	vm1 =	vgt.s32 v14, $0xB;
	(pc) =	sbr.rel @p0 .LBB2_2-.Ltmp0, $4  }
0x47: {  	v15 =	vsel vm0, $0x9, v2;
	v17 =	vsel vm1, $0x1, v3;
	vm0 =	vgt.s32 v14, $0xD  }
0x48: {  	v15 =	vadd.s32 v17, v15;
	v17 =	vsel vm0, $0x1, v3;
	vm0 =	vgt.s32 v14, $0xF  }
0x49: {  	s20 =	simm.s32 $0x0;
	v15 =	vadd.s32 v17, v15;
	v17 =	vsel vm0, $0x1, v3;
	vm0 =	vgt.s32 v14, $0x13  }
0x4a: {  	s22 =	sadd.s32 $0x10, s22;
	v17 =	vadd.s32 v17, v15;
	v18 =	vsel vm0, $0x1, v3;
	vm0 =	vgt.s32 v14, $0x16;
	v15 =	vld.idx.msk [tilespmem:v19+s20+$0x0], $0xffff  }
0x4b: {  	v17 =	vadd.s32 v18, v17  }
0x4c: {  	v55 =	vsel vm0, $0x1, v3;
	vm7 =	vgt.s32 v14, $0x1A;
	v16 =	vbroadcast v16, $0x0  }
0x4d: {  	v13 =	vshrl.u32 v13, $0x1B;
	v17 =	vadd.s32 v55, v17;
	v56 =	vsel vm7, $0x1, v3  }
0x4e: {  	vm8 =	vlt.s32 v14, $0x8;
	v17 =	vadd.s32 v56, v17;
	v12 =	vsub.s32 v16, v12  }
0x4f: {  	v13 =	vand.u32 $0x10, v13;
	v14 =	vsel vm8, v14, v17;
	v12 =	vadd.s32 v1, v12  }
0x50: {  	v13 =	vadd.s32 v13, v14;
	v14 =	vsub.s32 $0x0, v12  }
0x51: {  	v13 =	vshll.u32 v13, $0x7;
	v14 =	vmin.u32 v12, v14  }
0x52: {  	v13 =	vadd.s32 v0, v13;
	vm9 =	vgt.s32 v14, $0x9;
	vm1 =	vgt.s32 v14, $0xB  }
0x53: {  	vm10 =	vgt.s32 v14, $0xD;
	v57 =	vsel vm9, $0x9, v2;
	v58 =	vsel vm1, $0x1, v3  }
0x54: {  	vm11 =	vgt.s32 v14, $0xF;
	v59 =	vsel vm10, $0x1, v3;
	v16 =	vadd.s32 v58, v57  }
0x55: {  	vm12 =	vgt.s32 v14, $0x13;
	v60 =	vsel vm11, $0x1, v3;
	v16 =	vadd.s32 v59, v16  }
0x56: {  	vm13 =	vgt.s32 v14, $0x16;
	v61 =	vsel vm12, $0x1, v3;
	v16 =	vadd.s32 v60, v16  }
0x57: {  	vm14 =	vgt.s32 v14, $0x1A;
	v62 =	vsel vm13, $0x1, v3;
	v16 =	vadd.s32 v61, v16  }
0x58: {  	v63 =	vsel vm14, $0x1, v3;
	v16 =	vadd.s32 v62, v16  }
0x59: {  	v12 =	vshrl.u32 v12, $0x1B;
	vm15 =	vlt.s32 v14, $0x8;
	v16 =	vadd.s32 v63, v16  }
0x5a: {  	s21 =	sadd.s32 $0x10, s21;
	v12 =	vand.u32 $0x10, v12;
	v14 =	vsel vm15, v14, v16  }
0x5b: {  	[tilespmem:s21+$0x0] =	vst v15;
	v12 =	vadd.s32 v12, v14  }
0x5c: {  	v13 =	vld.idx.msk [tilespmem:v13+s20+$0x0], $0xffff;
	v12 =	vshll.u32 v12, $0x7  }
0x5d: {  	v12 =	vadd.s32 v0, v12;
	_ =	sdelay $0x2  }
0x5e: {  	s21 =	sadd.s32 $0x10, s21  }
0x5f: {  	[tilespmem:s21+$0x0] =	vst v13  }
0x60: {  	p1 =	por $0x1, $0x1;
	v12 =	vld.idx.msk [tilespmem:v12+s20+$0x0], $0xffff  }
.Ltmp1:
0x61: {  	_ = 	snop;
	(pc) =	sbr.rel @!p1 .LBB2_4-.Ltmp1, $3  }
0x62: {  	_ =	sdelay $0x1  }
0x63: {  	s21 =	sadd.s32 $0x10, s21  }
0x64: {  	s22 =	simm.s32 $0x2100;
	p0 =	por $0x0, $0x0;
	[tilespmem:s21+$0x0] =	vst v12;
	v12 =	vadd.s32 s20, v4;
	s21 =	simm.s32 $0x10  }
0x65: {  	_ =	sdelay $0x3  }
0x66: {  	v12 =	vld.idx.msk [tilespmem:v12+s18+$0x0], $0xffff  }
0x67: {  	v13 =	vadd.s32 s20, v5;
	_ =	sdelay $0x3  }
0x68: {  	[tilespmem:s22+$0x0] =	vst v12  }
0x69: {  	v12 =	vld.idx.msk [tilespmem:v13+s18+$0x0], $0xffff  }
0x6a: {  	v13 =	vadd.s32 s20, v6;
	_ =	sdelay $0x2  }
0x6b: {  	s23 =	sand.u32 $0xFF0, s20  }
0x6c: {  	[tilespmem:s23+$0x3100] =	vst v12  }
0x6d: {  	v12 =	vld.idx.msk [tilespmem:v13+s18+$0x0], $0xffff  }
0x6e: {  	v13 =	vadd.s32 s20, v7;
	_ =	sdelay $0x3  }
0x6f: {  	[tilespmem:s23+$0x4100] =	vst v12  }
0x70: {  	v12 =	vld.idx.msk [tilespmem:v13+s18+$0x0], $0xffff  }
0x71: {  	v13 =	vadd.s32 s20, v8;
	_ =	sdelay $0x3  }
0x72: {  	[tilespmem:s23+$0x5100] =	vst v12  }
0x73: {  	v12 =	vld.idx.msk [tilespmem:v13+s18+$0x0], $0xffff  }
0x74: {  	v13 =	vadd.s32 s20, v9;
	_ =	sdelay $0x3  }
0x75: {  	[tilespmem:s23+$0x6100] =	vst v12  }
0x76: {  	v12 =	vld.idx.msk [tilespmem:v13+s18+$0x0], $0xffff  }
0x77: {  	v13 =	vadd.s32 s20, v10;
	_ =	sdelay $0x3  }
0x78: {  	[tilespmem:s23+$0x7100] =	vst v12  }
0x79: {  	v12 =	vld.idx.msk [tilespmem:v13+s18+$0x0], $0xffff  }
0x7a: {  	v13 =	vadd.s32 s20, v11  }
0x7b: {  	p2 =	por $0x1, $0x1  }
.Ltmp2:
0x7c: {  	_ = 	snop;
	(pc) =	sbr.rel @!p2 .LBB2_6-.Ltmp2, $4  }
0x7d: {  	_ = 	snop  }
0x7e: {  	[tilespmem:s23+$0x8100] =	vst v12  }
0x7f: {  	v13 =	vld.idx.msk [tilespmem:v13+s18+$0x0], $0xffff  }
0x80: {  	s25 =	simm.s32 $0x20;
	p1 =	por $0x1, $0x1;
	s24 =	simm.s32 $0x2100;
	v12 =	vadd.s32 s21, v4  }
.LBB2_7:
0x81: {  	p2 =	sne.s32 s25, $0xFF0;
	_ =	sdelay $0x2  }
0x82: {  	[tilespmem:s23+$0x9100] =	vst v13  }
0x83: {  	v12 =	vld.idx.msk [tilespmem:v12+s18+$0x0], $0xffff;
	_ =	sdelay $0x1  }
0x84: {  	v13 =	vadd.s32 s21, v5;
	_ =	sdelay $0x2  }
0x85: {  	s24 =	sadd.s32 $0x10, s24  }
0x86: {  	[tilespmem:s24+$0x0] =	vst v12  }
0x87: {  	v12 =	vld.idx.msk [tilespmem:v13+s18+$0x0], $0xffff;
	_ =	sdelay $0x1  }
0x88: {  	v13 =	vadd.s32 s21, v6;
	_ =	sdelay $0x2  }
0x89: {  	s23 =	sand.u32 $0xFF0, s21  }
0x8a: {  	[tilespmem:s23+$0x3100] =	vst v12  }
0x8b: {  	v12 =	vld.idx.msk [tilespmem:v13+s18+$0x0], $0xffff;
	_ =	sdelay $0x1  }
0x8c: {  	v13 =	vadd.s32 s21, v7;
	_ =	sdelay $0x3  }
0x8d: {  	[tilespmem:s23+$0x4100] =	vst v12  }
0x8e: {  	v12 =	vld.idx.msk [tilespmem:v13+s18+$0x0], $0xffff;
	_ =	sdelay $0x1  }
0x8f: {  	v13 =	vadd.s32 s21, v8;
	_ =	sdelay $0x3  }
0x90: {  	[tilespmem:s23+$0x5100] =	vst v12  }
0x91: {  	v12 =	vld.idx.msk [tilespmem:v13+s18+$0x0], $0xffff;
	_ =	sdelay $0x1  }
0x92: {  	v13 =	vadd.s32 s21, v9;
	_ =	sdelay $0x3  }
0x93: {  	[tilespmem:s23+$0x6100] =	vst v12  }
0x94: {  	v12 =	vld.idx.msk [tilespmem:v13+s18+$0x0], $0xffff;
	_ =	sdelay $0x1  }
0x95: {  	v13 =	vadd.s32 s21, v10;
	_ =	sdelay $0x3  }
0x96: {  	[tilespmem:s23+$0x7100] =	vst v12  }
0x97: {  	v12 =	vld.idx.msk [tilespmem:v13+s18+$0x0], $0xffff;
	_ =	sdelay $0x1  }
0x98: {  	v13 =	vadd.s32 s21, v11;
	s21 =	smov.u32 s25;
	_ =	sdelay $0x2  }
.Ltmp3:
0x99: {  	(pc) =	sbr.rel @p2 .LBB2_7-.Ltmp3, $3  }
0x9a: {  	[tilespmem:s23+$0x8100] =	vst v12  }
0x9b: {  	v13 =	vld.idx.msk [tilespmem:v13+s18+$0x0], $0xffff;
	_ =	sdelay $0x1  }
0x9c: {  	s25 =	sadd.s32 $0x10, s25;
	v12 =	vadd.s32 s21, v4  }
.LBB2_8:
0x9d: {  	_ =	sdelay $0x2  }
0x9e: {  	[tilespmem:s23+$0x9100] =	vst @p1 v13  }
0x9f: {  	v12 =	vld.idx.msk [tilespmem:v12+s18+$0x0], $0xffff  }
0xa0: {  	v57 =	vadd.s32 s21, v5;
	_ =	sdelay $0x1  }
0xa1: {  	s23 =	sadd.s32 @p1 $0x10, s24  }
0xa2: {  	s22 =	smov.u32 @p1 s23  }
0xa3: {  	[tilespmem:s22+$0x0] =	vst v12  }
0xa4: {  	v12 =	vld.idx.msk [tilespmem:v57+s18+$0x0], $0xffff  }
0xa5: {  	v58 =	vadd.s32 s21, v6;
	_ =	sdelay $0x2  }
0xa6: {  	s31 =	sand.u32 $0xFF0, s21  }
0xa7: {  	[tilespmem:s31+$0x3100] =	vst v12  }
0xa8: {  	v12 =	vld.idx.msk [tilespmem:v58+s18+$0x0], $0xffff  }
0xa9: {  	v59 =	vadd.s32 s21, v7;
	_ =	sdelay $0x3  }
0xaa: {  	[tilespmem:s31+$0x4100] =	vst v12  }
0xab: {  	v12 =	vld.idx.msk [tilespmem:v59+s18+$0x0], $0xffff  }
0xac: {  	v60 =	vadd.s32 s21, v8;
	_ =	sdelay $0x3  }
0xad: {  	[tilespmem:s31+$0x5100] =	vst v12  }
0xae: {  	v12 =	vld.idx.msk [tilespmem:v60+s18+$0x0], $0xffff  }
0xaf: {  	v61 =	vadd.s32 s21, v9;
	_ =	sdelay $0x3  }
0xb0: {  	[tilespmem:s31+$0x6100] =	vst v12  }
0xb1: {  	v12 =	vld.idx.msk [tilespmem:v61+s18+$0x0], $0xffff  }
0xb2: {  	v62 =	vadd.s32 s21, v10;
	_ =	sdelay $0x3  }
0xb3: {  	[tilespmem:s31+$0x7100] =	vst v12  }
0xb4: {  	v12 =	vld.idx.msk [tilespmem:v62+s18+$0x0], $0xffff  }
0xb5: {  	v63 =	vadd.s32 s21, v11;
	_ =	sdelay $0x3  }
0xb6: {  	[tilespmem:s31+$0x8100] =	vst v12  }
0xb7: {  	p2 =	por $0x1, $0x1;
	v12 =	vld.idx.msk [tilespmem:v63+s18+$0x0], $0xffff  }
.Ltmp4:
0xb8: {  	_ = 	snop;
	(pc) =	sbr.rel @!p2 .LBB2_13-.Ltmp4, $2  }
0xb9: {  	_ =	sdelay $0x2  }
0xba: {  	s21 =	simm.s32 $0xFFFFFFE0;
	s23 =	smov.u32 s15;
	s22 =	simm.s32 $0x0;
	[tilespmem:s31+$0x9100] =	vst v12  }
0xbb: {  	s20 =	rddreg [dreg:$0x4]  }
0xbc: {  	s22 =	sand.u32 $0x1FFFF800, s15;
	s20 =	sadd.s32 $0x0, s20  }
0xbd: {  	s23 =	sadd.s32 s3, s22;
	s24 =	sadd.s32 $0x800, s20  }
0xbe: {  	[hbm4b:s23+s4] =	stream.linear.scatter [tilespmem:s24], [sflag:$0x1], $0x800, $0x38;
	[tilespmem:$0xA100] =	vst v63  }
0xbf: {  	s25 =	sadd.s32 s22, s7;
	s26 =	sadd.s32 $0x1800, s20  }
0xc0: {  	[hbm4b:s25+s4] =	stream.linear.scatter [tilespmem:s26], [sflag:$0x1], $0x800, $0x38;
	[tilespmem:$0xA100] =	vst v63  }
0xc1: {  	s28 =	sadd.s32 s22, s8;
	s29 =	sadd.s32 $0x2800, s20  }
0xc2: {  	[hbm4b:s28+s4] =	stream.linear.scatter [tilespmem:s29], [sflag:$0x1], $0x800, $0x38;
	[tilespmem:$0xA100] =	vst v63  }
0xc3: {  	s30 =	sadd.s32 s22, s9;
	s31 =	sadd.s32 $0x3800, s20  }
0xc4: {  	[hbm4b:s30+s4] =	stream.linear.scatter [tilespmem:s31], [sflag:$0x1], $0x800, $0x38;
	[tilespmem:$0xA100] =	vst v63  }
0xc5: {  	s25 =	sadd.s32 s22, s10;
	s26 =	sadd.s32 $0x4800, s20  }
0xc6: {  	[hbm4b:s25+s4] =	stream.linear.scatter [tilespmem:s26], [sflag:$0x1], $0x800, $0x38;
	[tilespmem:$0xA100] =	vst v63  }
0xc7: {  	s28 =	sadd.s32 s22, s11;
	s29 =	sadd.s32 $0x5800, s20  }
0xc8: {  	[hbm4b:s28+s4] =	stream.linear.scatter [tilespmem:s29], [sflag:$0x1], $0x800, $0x38;
	[tilespmem:$0xA100] =	vst v63  }
0xc9: {  	p1 =	por $0x1, $0x1;
	s30 =	sadd.s32 s22, s12;
	s31 =	sadd.s32 $0x6800, s20  }
0xca: {  	[hbm4b:s30+s4] =	stream.linear.scatter [tilespmem:s31], [sflag:$0x1], $0x800, $0x38;
	[tilespmem:$0xA100] =	vst v63  }
0xcb: {  	s24 =	simm.s32 @!p1 $0x1;
	s22 =	sadd.s32 s22, s13;
	s20 =	sadd.s32 $0x7800, s20  }
0xcc: {  	[hbm4b:s22+s4] =	stream.linear.scatter [tilespmem:s20], [sflag:$0x1], $0x800, $0x38;
	[tilespmem:$0xA100] =	vst v63  }
0xcd: {  	_ =	swait.ge @!p1 [sflag:s24], $0x800  }
0xce: {  	[sflag:s24] =	ssyncset.done @!p1 $0x0  }
0xcf: {  	[sflag:s24] =	ssyncadd.s32 @!p1 $0xFFFFF800  }
0xd0: {  	_ =	swait.ge @!p1 [sflag:s24], $0x800  }
0xd1: {  	[sflag:s24] =	ssyncset.done @!p1 $0x0  }
0xd2: {  	[sflag:s24] =	ssyncadd.s32 @!p1 $0xFFFFF800  }
0xd3: {  	_ =	swait.ge @!p1 [sflag:s24], $0x800  }
0xd4: {  	[sflag:s24] =	ssyncset.done @!p1 $0x0  }
0xd5: {  	[sflag:s24] =	ssyncadd.s32 @!p1 $0xFFFFF800  }
0xd6: {  	_ =	swait.ge @!p1 [sflag:s24], $0x800  }
0xd7: {  	[sflag:s24] =	ssyncset.done @!p1 $0x0  }
0xd8: {  	[sflag:s24] =	ssyncadd.s32 @!p1 $0xFFFFF800  }
0xd9: {  	_ =	swait.ge @!p1 [sflag:s24], $0x800  }
0xda: {  	[sflag:s24] =	ssyncset.done @!p1 $0x0  }
0xdb: {  	[sflag:s24] =	ssyncadd.s32 @!p1 $0xFFFFF800  }
0xdc: {  	_ =	swait.ge @!p1 [sflag:s24], $0x800  }
0xdd: {  	p2 =	por $0x1, $0x1;
	[sflag:s24] =	ssyncset.done @!p1 $0x0  }
.Ltmp5:
0xde: {  	[sflag:s24] =	ssyncadd.s32 @!p1 $0xFFFFF800;
	(pc) =	sbr.rel @!p2 .LBB2_10-.Ltmp5, $4  }
0xdf: {  	_ =	swait.ge @!p1 [sflag:s24], $0x800  }
0xe0: {  	[sflag:s24] =	ssyncset.done @!p1 $0x0  }
0xe1: {  	p0 =	por $0x1, $0x1;
	s23 =	sadd.s32 $0x800, s15;
	[sflag:s24] =	ssyncadd.s32 @!p1 $0xFFFFF800  }
0xe2: {  	s20 =	simm.s32 $0xFFFFFFC0;
	s22 =	simm.s32 $0x1;
	_ =	swait.ge @!p1 [sflag:s24], $0x800  }
.LBB2_11:
0xe3: {  	s25 =	rddreg [dreg:$0x4];
	[sflag:s24] =	ssyncset.done @!p1 $0x0  }
0xe4: {  	s26 =	smov.u32 s20;
	s29 =	sshra.s32 s21, $0x2;
	[sflag:s24] =	ssyncadd.s32 @!p1 $0xFFFFF800  }
0xe5: {  	s21 =	smov.u32 s26;
	s26 =	sand.u32 $0x1FFFF800, s23;
	s24 =	sadd.s32 s29, s25  }
0xe6: {  	s30 =	sadd.s32 s3, s26;
	s28 =	sadd.s32 $0x800, s24  }
0xe7: {  	[hbm4b:s30+s4] =	stream.linear.scatter [tilespmem:s28], [sflag:$0x1], $0x800, $0x38;
	[tilespmem:$0xA100] =	vst v63  }
0xe8: {  	s31 =	sadd.s32 s26, s7;
	s29 =	sadd.s32 $0x1800, s24  }
0xe9: {  	[hbm4b:s31+s4] =	stream.linear.scatter [tilespmem:s29], [sflag:$0x1], $0x800, $0x38;
	[tilespmem:$0xA100] =	vst v63  }
0xea: {  	s30 =	sadd.s32 s26, s8;
	s31 =	sadd.s32 $0x2800, s24  }
0xeb: {  	[hbm4b:s30+s4] =	stream.linear.scatter [tilespmem:s31], [sflag:$0x1], $0x800, $0x38;
	[tilespmem:$0xA100] =	vst v63  }
0xec: {  	s29 =	sadd.s32 s26, s9;
	s30 =	sadd.s32 $0x3800, s24  }
0xed: {  	[hbm4b:s29+s4] =	stream.linear.scatter [tilespmem:s30], [sflag:$0x1], $0x800, $0x38;
	[tilespmem:$0xA100] =	vst v63  }
0xee: {  	s31 =	sadd.s32 s26, s10;
	s29 =	sadd.s32 $0x4800, s24  }
0xef: {  	[hbm4b:s31+s4] =	stream.linear.scatter [tilespmem:s29], [sflag:$0x1], $0x800, $0x38;
	[tilespmem:$0xA100] =	vst v63  }
0xf0: {  	s30 =	sadd.s32 s26, s11;
	s31 =	sadd.s32 $0x5800, s24  }
0xf1: {  	[hbm4b:s30+s4] =	stream.linear.scatter [tilespmem:s31], [sflag:$0x1], $0x800, $0x38;
	[tilespmem:$0xA100] =	vst v63  }
0xf2: {  	s29 =	sadd.s32 s26, s12;
	s30 =	sadd.s32 $0x6800, s24  }
0xf3: {  	[hbm4b:s29+s4] =	stream.linear.scatter [tilespmem:s30], [sflag:$0x1], $0x800, $0x38;
	[tilespmem:$0xA100] =	vst v63  }
0xf4: {  	p1 =	slt.u32 s22, $0x2;
	s31 =	sadd.s32 s26, s13;
	s24 =	sadd.s32 $0x7800, s24  }
0xf5: {  	[hbm4b:s31+s4] =	stream.linear.scatter [tilespmem:s24], [sflag:$0x1], $0x800, $0x38;
	[tilespmem:$0xA100] =	vst v63  }
0xf6: {  	s24 =	simm.s32 @!p1 $0x1  }
0xf7: {  	_ =	swait.ge @!p1 [sflag:s24], $0x800  }
0xf8: {  	[sflag:s24] =	ssyncset.done @!p1 $0x0  }
0xf9: {  	[sflag:s24] =	ssyncadd.s32 @!p1 $0xFFFFF800  }
0xfa: {  	_ =	swait.ge @!p1 [sflag:s24], $0x800  }
0xfb: {  	[sflag:s24] =	ssyncset.done @!p1 $0x0  }
0xfc: {  	[sflag:s24] =	ssyncadd.s32 @!p1 $0xFFFFF800  }
0xfd: {  	_ =	swait.ge @!p1 [sflag:s24], $0x800  }
0xfe: {  	[sflag:s24] =	ssyncset.done @!p1 $0x0  }
0xff: {  	[sflag:s24] =	ssyncadd.s32 @!p1 $0xFFFFF800  }
0x100: {  	_ =	swait.ge @!p1 [sflag:s24], $0x800  }
0x101: {  	[sflag:s24] =	ssyncset.done @!p1 $0x0  }
0x102: {  	[sflag:s24] =	ssyncadd.s32 @!p1 $0xFFFFF800  }
0x103: {  	_ =	swait.ge @!p1 [sflag:s24], $0x800  }
0x104: {  	[sflag:s24] =	ssyncset.done @!p1 $0x0  }
0x105: {  	[sflag:s24] =	ssyncadd.s32 @!p1 $0xFFFFF800  }
0x106: {  	s20 =	sadd.s32 $0xFFFFFFE0, s20;
	_ =	swait.ge @!p1 [sflag:s24], $0x800  }
0x107: {  	p2 =	sne.s32 s20, $0xFFFFF000;
	[sflag:s24] =	ssyncset.done @!p1 $0x0  }
.Ltmp6:
0x108: {  	[sflag:s24] =	ssyncadd.s32 @!p1 $0xFFFFF800;
	(pc) =	sbr.rel @p2 .LBB2_11-.Ltmp6, $4  }
0x109: {  	_ =	swait.ge @!p1 [sflag:s24], $0x800  }
0x10a: {  	[sflag:s24] =	ssyncset.done @!p1 $0x0  }
0x10b: {  	[sflag:s24] =	ssyncadd.s32 @!p1 $0xFFFFF800  }
0x10c: {  	s22 =	sadd.s32 $0x1, s22;
	s23 =	sadd.s32 $0x800, s23;
	_ =	swait.ge @!p1 [sflag:s24], $0x800  }
0x10d: {  	s20 =	smov.u32 s21  }
.LBB2_13:
0x10e: {  	s21 =	rddreg [dreg:$0x4];
	p0 =	por p1, !p0;
	s20 =	sshra.s32 s20, $0x2  }
0x10f: {  	s23 =	sand.u32 $0x1FFFF800, s23;
	[sflag:s24] =	ssyncset.done @!p0 $0x0;
	s20 =	sadd.s32 s20, s21  }
0x110: {  	s30 =	sadd.s32 s3, s23;
	[sflag:s24] =	ssyncadd.s32 @!p0 $0xFFFFF800;
	s31 =	sadd.s32 $0x800, s20  }
0x111: {  	[hbm4b:s30+s4] =	stream.linear.scatter [tilespmem:s31], [sflag:$0x1], $0x800, $0x38;
	[tilespmem:$0xA100] =	vst v63  }
0x112: {  	s25 =	sadd.s32 s23, s7;
	s26 =	sadd.s32 $0x1800, s20  }
0x113: {  	[hbm4b:s25+s4] =	stream.linear.scatter [tilespmem:s26], [sflag:$0x1], $0x800, $0x38;
	[tilespmem:$0xA100] =	vst v63  }
0x114: {  	s28 =	sadd.s32 s23, s8;
	s29 =	sadd.s32 $0x2800, s20  }
0x115: {  	[hbm4b:s28+s4] =	stream.linear.scatter [tilespmem:s29], [sflag:$0x1], $0x800, $0x38;
	[tilespmem:$0xA100] =	vst v63  }
0x116: {  	s30 =	sadd.s32 s23, s9;
	s31 =	sadd.s32 $0x3800, s20  }
0x117: {  	[hbm4b:s30+s4] =	stream.linear.scatter [tilespmem:s31], [sflag:$0x1], $0x800, $0x38;
	[tilespmem:$0xA100] =	vst v63  }
0x118: {  	s24 =	sadd.s32 s23, s10;
	s25 =	sadd.s32 $0x4800, s20  }
0x119: {  	[hbm4b:s24+s4] =	stream.linear.scatter [tilespmem:s25], [sflag:$0x1], $0x800, $0x38;
	[tilespmem:$0xA100] =	vst v63  }
0x11a: {  	s26 =	sadd.s32 s23, s11;
	s28 =	sadd.s32 $0x5800, s20  }
0x11b: {  	[hbm4b:s26+s4] =	stream.linear.scatter [tilespmem:s28], [sflag:$0x1], $0x800, $0x38;
	[tilespmem:$0xA100] =	vst v63  }
0x11c: {  	s29 =	sadd.s32 s23, s12;
	s30 =	sadd.s32 $0x6800, s20  }
0x11d: {  	[hbm4b:s29+s4] =	stream.linear.scatter [tilespmem:s30], [sflag:$0x1], $0x800, $0x38;
	[tilespmem:$0xA100] =	vst v63  }
0x11e: {  	p0 =	slt.u32 s22, $0x2;
	s31 =	sadd.s32 s23, s13;
	s20 =	sadd.s32 $0x7800, s20  }
0x11f: {  	[hbm4b:s31+s4] =	stream.linear.scatter [tilespmem:s20], [sflag:$0x1], $0x800, $0x38;
	[tilespmem:$0xA100] =	vst v63  }
0x120: {  	s20 =	simm.s32 @!p0 $0x1  }
0x121: {  	_ =	swait.ge @!p0 [sflag:s20], $0x800  }
0x122: {  	[sflag:s20] =	ssyncset.done @!p0 $0x0  }
0x123: {  	[sflag:s20] =	ssyncadd.s32 @!p0 $0xFFFFF800  }
0x124: {  	_ =	swait.ge @!p0 [sflag:s20], $0x800  }
0x125: {  	[sflag:s20] =	ssyncset.done @!p0 $0x0  }
0x126: {  	[sflag:s20] =	ssyncadd.s32 @!p0 $0xFFFFF800  }
0x127: {  	_ =	swait.ge @!p0 [sflag:s20], $0x800  }
0x128: {  	[sflag:s20] =	ssyncset.done @!p0 $0x0  }
0x129: {  	[sflag:s20] =	ssyncadd.s32 @!p0 $0xFFFFF800  }
0x12a: {  	_ =	swait.ge @!p0 [sflag:s20], $0x800  }
0x12b: {  	[sflag:s20] =	ssyncset.done @!p0 $0x0  }
0x12c: {  	[sflag:s20] =	ssyncadd.s32 @!p0 $0xFFFFF800  }
0x12d: {  	_ =	swait.ge @!p0 [sflag:s20], $0x800  }
0x12e: {  	[sflag:s20] =	ssyncset.done @!p0 $0x0  }
0x12f: {  	[sflag:s20] =	ssyncadd.s32 @!p0 $0xFFFFF800  }
0x130: {  	_ =	swait.ge @!p0 [sflag:s20], $0x800  }
0x131: {  	[sflag:s20] =	ssyncset.done @!p0 $0x0  }
0x132: {  	[sflag:s20] =	ssyncadd.s32 @!p0 $0xFFFFF800  }
0x133: {  	_ =	swait.ge @!p0 [sflag:s20], $0x800  }
0x134: {  	[sflag:s20] =	ssyncset.done @!p0 $0x0  }
0x135: {  	[sflag:s20] =	ssyncadd.s32 @!p0 $0xFFFFF800  }
0x136: {  	_ =	swait.ge @!p0 [sflag:s20], $0x800  }
0x137: {  	[sflag:s20] =	ssyncset.done @!p0 $0x0  }
0x138: {  	[sflag:s20] =	ssyncadd.s32 @!p0 $0xFFFFF800  }
0x139: {  	_ =	swait.ge [sflag:s6], $0x800  }
0x13a: {  	[sflag:s6] =	ssyncset.done $0x0  }
0x13b: {  	[sflag:s6] =	ssyncadd.s32 $0xFFFFF800  }
0x13c: {  	_ =	swait.ge [sflag:s6], $0x800  }
0x13d: {  	[sflag:s6] =	ssyncset.done $0x0  }
0x13e: {  	[sflag:s6] =	ssyncadd.s32 $0xFFFFF800  }
0x13f: {  	_ =	swait.ge [sflag:s6], $0x800  }
0x140: {  	[sflag:s6] =	ssyncset.done $0x0  }
0x141: {  	[sflag:s6] =	ssyncadd.s32 $0xFFFFF800  }
0x142: {  	_ =	swait.ge [sflag:s6], $0x800  }
0x143: {  	[sflag:s6] =	ssyncset.done $0x0  }
0x144: {  	[sflag:s6] =	ssyncadd.s32 $0xFFFFF800  }
0x145: {  	_ =	swait.ge [sflag:s6], $0x800  }
0x146: {  	[sflag:s6] =	ssyncset.done $0x0  }
0x147: {  	[sflag:s6] =	ssyncadd.s32 $0xFFFFF800  }
0x148: {  	_ =	swait.ge [sflag:s6], $0x800  }
0x149: {  	[sflag:s6] =	ssyncset.done $0x0  }
0x14a: {  	[sflag:s6] =	ssyncadd.s32 $0xFFFFF800  }
0x14b: {  	_ =	swait.ge [sflag:s6], $0x800  }
0x14c: {  	[sflag:s6] =	ssyncset.done $0x0  }
0x14d: {  	[sflag:s6] =	ssyncadd.s32 $0xFFFFF800  }
0x14e: {  	_ =	swait.ge [sflag:s6], $0x800  }
0x14f: {  	[sflag:s6] =	ssyncset.done $0x0  }
0x150: {  	[sflag:s6] =	ssyncadd.s32 $0xFFFFF800  }
0x151: {  	_ =	swait.ge [sflag:s6], $0x800  }
0x152: {  	[sflag:s6] =	ssyncset.done $0x0  }
0x153: {  	[sflag:s6] =	ssyncadd.s32 $0xFFFFF800  }
0x154: {  	_ =	swait.ge [sflag:s6], $0x800  }
0x155: {  	[sflag:s6] =	ssyncset.done $0x0  }
0x156: {  	[sflag:s6] =	ssyncadd.s32 $0xFFFFF800  }
0x157: {  	_ =	swait.ge [sflag:s6], $0x800  }
0x158: {  	[sflag:s6] =	ssyncset.done $0x0  }
0x159: {  	[sflag:s6] =	ssyncadd.s32 $0xFFFFF800  }
0x15a: {  	_ =	swait.ge [sflag:s6], $0x800  }
0x15b: {  	[sflag:s6] =	ssyncset.done $0x0  }
0x15c: {  	[sflag:s6] =	ssyncadd.s32 $0xFFFFF800  }
0x15d: {  	_ =	swait.ge [sflag:s6], $0x800  }
0x15e: {  	[sflag:s6] =	ssyncset.done $0x0  }
0x15f: {  	[sflag:s6] =	ssyncadd.s32 $0xFFFFF800  }
0x160: {  	_ =	swait.ge [sflag:s6], $0x800  }
0x161: {  	[sflag:s6] =	ssyncset.done $0x0  }
0x162: {  	s19 =	sadd.s32 $0x1, s19;
	[sflag:s6] =	ssyncadd.s32 $0xFFFFF800  }
0x163: {  	p0 =	sne.s32 s19, s14;
	_ =	swait.ge [sflag:s6], $0x800  }
.Ltmp7:
0x164: {  	[sflag:s6] =	ssyncset.done $0x0;
	(pc) =	sbr.rel @p0 .LBB2_1-.Ltmp7, $4  }
.Ltmp8:
0x165: {  	[sflag:s6] =	ssyncadd.s32 $0xFFFFF800;
	(pc) =	sbr.rel @!p0 .LBB2_14-.Ltmp8, $4  }
0x166: {  	_ =	swait.ge [sflag:s6], $0x800  }
0x167: {  	[sflag:s6] =	ssyncset.done $0x0  }
0x168: {  	[sflag:s6] =	ssyncadd.s32 $0xFFFFF800  }
0x169: {  	_ = 	snop  }
.LBB2_4:
.Ltmp9:
0x16a: {  	(pc) =	sbr.rel .LBB2_8-.Ltmp9, $2  }
0x16b: {  	_ =	sdelay $0x2  }
0x16c: {  	s21 =	simm.s32 $0x0;
	s24 =	simm.s32 $0x2100;
	p1 =	por $0x0, $0x0  }
.LBB2_6:
.Ltmp10:
0x16d: {  	(pc) =	sbr.rel .LBB2_8-.Ltmp10, $2  }
0x16e: {  	_ =	sdelay $0x2  }
0x16f: {  	s24 =	simm.s32 $0x2100  }
.LBB2_10:
.Ltmp11:
0x170: {  	(pc) =	sbr.rel .LBB2_13-.Ltmp11, $2  }
0x171: {  	_ =	sdelay $0x2  }
0x172: {  	s20 =	simm.s32 $0xFFFFFFE0  }
.LBB2_14:
0x173: {  	_ =	sfence.sel $0x180000  }
0x174: {  	[bflag:$0x0] =	sbarrier.arrive $0xFFFF  }
0x175: {  	p0 =	sne.s32 s2, $0x0;
	_ =	strace $0x90000047  }
0x176: {  	s0 =	sadd.s32 @!p0 $0x100000, s0;
	[bflag:$0x2] =	sbarrier.arrive $0xFFFF  }
0x177: {  	[sflag:s0] =	ssyncadd.tile.s32 @!p0 $0x1;
	_ =	shalt  }
.Lfunc_end2:
_tile_overlayer_lowered:
.L_overlay_start_2:
0x178: {  	(tag) =	ssettag $0x2  }
0x179: {  	s0 =	rddreg [dreg:$0x0];
	s2 =	stileid.u32  }
0x17a: {  	s1 =	rddreg [dreg:$0x1];
	p0 =	sne.s32 s2, $0x0  }
0x17b: {  	s3 =	rddreg [dreg:$0x2];
	[bflag:$0x3] =	sbarrier.arrive $0xFFFF;
	s2 =	simm.s32 @!p0 $0x1C02  }
0x17c: {  	[timem:s3], [sflag:s2] =	dma.local @!p0 [hbm:s0], s1  }
0x17d: {  	s0 =	simm.s32 @!p0 $0x2  }
0x17e: {  	_ =	swait.ge @!p0 [sflag:s0], s1  }
0x17f: {  	s1 =	ssub.s32 @!p0 $0x0, s1;
	[sflag:s0] =	ssyncset.done @!p0 $0x0  }
0x180: {  	[sflag:s0] =	ssyncadd.s32 @!p0 s1  }
0x181: {  	[bflag:$0x3] =	sbarrier.arrive $0xFFFF  }
0x182: {  	_ =	shalt  }

</sc_bundles>
